<compile_context>
chip_gen: v7x
topology: tpu7x:2x2x1
jax: 0.10.2.dev20260603
libtpu: 0.0.44.dev20260713+nightly
codegen_flags: <defaults>
</compile_context>

<pallas_src>
import functools
import math
import jax
import jax.numpy as jnp
from jax.experimental import pallas as pl
from jax.experimental.pallas import tpu as pltpu

N_NODES = 128
SEQ = 2048
BS = 16
VOCAB = 20000
EMB = 128
DIM = 128
DH = 64
BUCKET = 64
NROT = 32
REF_OUT = 640
NCHUNK = SEQ // BUCKET

ROWS_BLK = 1000


def _bdot(a, b):
    return jnp.dot(a.astype(jnp.bfloat16), b.astype(jnp.bfloat16),
                   preferred_element_type=jnp.float32)


def _table_kernel(emb_ref, w_in_ref, b_in_ref, r_ref, th_ref, bkt_ref):
    e = emb_ref[...]
    h = _bdot(e, w_in_ref[...]) + b_in_ref[...]
    rp = _bdot(h, r_ref[...])
    iota = jax.lax.broadcasted_iota(jnp.int32, rp.shape, 1)
    m1 = jnp.max(rp, axis=1, keepdims=True)
    i1 = jnp.min(jnp.where(rp == m1, iota, NROT * 2), axis=1, keepdims=True)
    m2 = jnp.max(-rp, axis=1, keepdims=True)
    i2 = jnp.min(jnp.where(-rp == m2, iota, NROT * 2), axis=1, keepdims=True)
    bkt_ref[...] = jnp.where(m1 >= m2, i1, NROT + i2)
    th_ref[...] = h


def _build_tables(params):
    grid = VOCAB // ROWS_BLK
    out_shapes = (
        jax.ShapeDtypeStruct((VOCAB, DIM), jnp.float32),
        jax.ShapeDtypeStruct((VOCAB, 1), jnp.int32),
    )
    full = lambda shape: pl.BlockSpec(shape, lambda i: (0, 0))
    return pl.pallas_call(
        _table_kernel,
        grid=(grid,),
        in_specs=[
            pl.BlockSpec((ROWS_BLK, EMB), lambda i: (i, 0)),
            full((EMB, DIM)),
            full((1, DIM)),
            full((DIM, NROT)),
        ],
        out_specs=(
            pl.BlockSpec((ROWS_BLK, DIM), lambda i: (i, 0)),
            pl.BlockSpec((ROWS_BLK, 1), lambda i: (i, 0)),
        ),
        out_shape=out_shapes,
    )(params['token_emb'], params['W_in'], params['b_in'].reshape(1, DIM),
      params['R'])


def _attn_kernel(gh_ref, ps_ref, wq_ref, wk_ref, wv_ref, wo_ref, wmean_ref,
                 out_ref):
    bf16 = jnp.bfloat16
    hs = gh_ref[...].reshape(SEQ, DIM)
    q = _bdot(hs, wq_ref[...]).reshape(NCHUNK, BUCKET, DH)
    k = _bdot(hs, wk_ref[...]).reshape(NCHUNK, BUCKET, DH)
    v = _bdot(hs, wv_ref[...]).reshape(NCHUNK, BUCKET, DH)
    ps = ps_ref[...]
    sc = jax.lax.dot_general(
        q.astype(bf16), k.astype(bf16), (((2,), (2,)), ((0,), (0,))),
        preferred_element_type=jnp.float32) * (1.0 / 8.0)
    mask = ps[:, :, None] >= ps[:, None, :]
    sc = jnp.where(mask, sc, -1e9)
    m = jnp.max(sc, axis=2, keepdims=True)
    e = jnp.exp(sc - m)
    s = jnp.sum(e, axis=2, keepdims=True)
    attn = e / s
    oc = jax.lax.dot_general(
        attn.astype(bf16), v.astype(bf16), (((2,), (1,)), ((0,), (0,))),
        preferred_element_type=jnp.float32)
    proj = _bdot(oc.reshape(SEQ, DH), wo_ref[...])
    h2 = (hs + proj).reshape(NCHUNK, BUCKET, DIM)
    wm = wmean_ref[...].astype(bf16).astype(jnp.float32)
    out_ref[...] = jnp.sum(h2.astype(bf16).astype(jnp.float32) * wm, axis=2)


def _run_attention(gh, ps, params):
    gb = pl.BlockSpec((NCHUNK, BUCKET, DIM), lambda i: (i, 0, 0))
    sb = pl.BlockSpec((NCHUNK, BUCKET), lambda i: (i, 0))
    full = lambda shape: pl.BlockSpec(shape, lambda i: tuple(0 for _ in shape))
    return pl.pallas_call(
        _attn_kernel,
        grid=(N_NODES,),
        in_specs=[gb, sb, full((DIM, DH)), full((DIM, DH)), full((DIM, DH)),
                  full((DH, DIM)), full((1, DIM))],
        out_specs=sb,
        out_shape=jax.ShapeDtypeStruct((N_NODES * NCHUNK, BUCKET), jnp.float32),
    )(gh, ps, params['Wq'], params['Wk'], params['Wv'], params['Wo'],
      params['w_mean'].reshape(1, DIM))


def _tail_kernel(x_ref, src_ref, dst_ref, wg1_ref, bg1_ref,
                 wn2_ref, wr2_ref, b2_ref, wn3_ref, wr3_ref, b3_ref,
                 wn4_ref, wr4_ref, b4_ref,
                 plug_ref, g_ref,
                 wq_a_ref, bq_a_ref, wk_a_ref, bk_a_ref, wv_a_ref, bv_a_ref,
                 wfc_ref, bfc_ref,
                 wf1p_ref, wf1x_ref, bf1_ref, wf2_ref, bf2_ref,
                 wf3_ref, bf3_ref,
                 out_ref, pooled_ref, plugx_ref):
    f32 = jnp.float32
    n = N_NODES
    x = x_ref[...]
    iota_n = jax.lax.broadcasted_iota(jnp.int32, (2048, n), 1)
    o_src = (src_ref[...] == iota_n).astype(f32)
    o_dst = (dst_ref[...] == iota_n).astype(f32)
    adj = jax.lax.dot_general(o_dst, o_src, (((0,), (0,)), ((), ())),
                              preferred_element_type=f32, precision=jax.lax.Precision.HIGHEST)

    def bn(v):
        mu = jnp.mean(v, axis=0, keepdims=True)
        var = jnp.mean((v - mu) * (v - mu), axis=0, keepdims=True)
        return (v - mu) / jnp.sqrt(var + 1e-5)

    def lrelu(v):
        return jnp.where(v >= 0, v, 0.01 * v)

    deg = jnp.sum(adj, axis=1, keepdims=True) + 1.0
    dinv = 1.0 / jnp.sqrt(deg)
    xw = _bdot(x, wg1_ref[...])
    xs = xw * dinv
    agg = jnp.dot(adj, xs, preferred_element_type=f32, precision=jax.lax.Precision.HIGHEST) + xs
    h = bn(lrelu(agg * dinv + bg1_ref[...]))

    cnt = jnp.sum(adj, axis=1, keepdims=True)
    cinv = 1.0 / jnp.clip(cnt, 1.0, None)

    def sage(v, wn_ref, wr_ref, b_ref):
        mean = jnp.dot(adj, v, preferred_element_type=f32, precision=jax.lax.Precision.HIGHEST) * cinv
        return bn(lrelu(_bdot(mean, wn_ref[...])
                        + _bdot(v, wr_ref[...])
                        + b_ref[...]))

    h = sage(h, wn2_ref, wr2_ref, b2_ref)
    h = sage(h, wn3_ref, wr3_ref, b3_ref)
    h = sage(h, wn4_ref, wr4_ref, b4_ref)

    pr = jax.lax.broadcasted_iota(jnp.int32, (BS, n), 0)
    pc = jax.lax.broadcasted_iota(jnp.int32, (BS, n), 1)
    pm = (pc // 8 == pr).astype(f32)
    pooled = jnp.dot(pm, h, preferred_element_type=f32, precision=jax.lax.Precision.HIGHEST)
    pooled_ref[...] = pooled

    plug = plug_ref[...]
    g = g_ref[...]
    q = _bdot(plug, wq_a_ref[...]) + bq_a_ref[...]
    k = _bdot(plug, wk_a_ref[...]) + bk_a_ref[...]
    v = _bdot(plug, wv_a_ref[...]) + bv_a_ref[...]
    rsqrt8 = 1.0 / math.sqrt(8.0)
    sqrt8 = math.sqrt(8.0)
    bf = lambda a: a.astype(jnp.bfloat16).astype(f32)
    o_parts = []
    for i in range(4):
        qi = bf(q[:, i * 8:(i + 1) * 8])
        t = []
        for j in range(4):
            kj = bf(k[:, j * 8:(j + 1) * 8])
            scij = jnp.sum(qi * kj, axis=1, keepdims=True) * rsqrt8
            t.append(scij + g[:, i * 4 + j:i * 4 + j + 1])
        m = jnp.maximum(jnp.maximum(t[0], t[1]), jnp.maximum(t[2], t[3]))
        e = [jnp.exp(tt - m) for tt in t]
        ssum = e[0] + e[1] + e[2] + e[3]
        oi = jnp.zeros((BS, 8), f32)
        for j in range(4):
            vj = bf(v[:, j * 8:(j + 1) * 8])
            oi = oi + bf(e[j] / ssum * sqrt8) * vj
        o_parts.append(oi)
    plugx = bfc_ref[...]
    for i in range(4):
        plugx = plugx + _bdot(o_parts[i], wfc_ref[...][i * 8:(i + 1) * 8, :])
    plugx_ref[...] = plugx

    h1 = (_bdot(pooled, wf1p_ref[...])
          + _bdot(plugx, wf1x_ref[...])
          + bf1_ref[...])
    h2 = _bdot(h1, wf2_ref[...]) + bf2_ref[...]
    out_ref[...] = _bdot(h2, wf3_ref[...]) + bf3_ref[...]


def _run_tail(x, src2d, dst2d, gender, age, handed, params):
    plug = jnp.concatenate([gender, age, handed], axis=1)
    u = jax.random.uniform(jax.random.key(1234), (BS, 4, 4))
    g = (-jnp.log(-jnp.log(u + 1e-20) + 1e-20)).reshape(BS, 16)
    row = lambda p: p.reshape(1, -1)
    args = (
        x, src2d, dst2d,
        params['W_g1'], row(params['b_g1']),
        params['Wn2'], params['Wr2'], row(params['b2']),
        params['Wn3'], params['Wr3'], row(params['b3']),
        params['Wn4'], params['Wr4'], row(params['b4']),
        plug, g,
        params['Wq_a'], row(params['bq_a']),
        params['Wk_a'], row(params['bk_a']),
        params['Wv_a'], row(params['bv_a']),
        params['Wfc'], row(params['bfc']),
        params['Wf1'][:50, :], params['Wf1'][50:, :], row(params['bf1']),
        params['Wf2'], row(params['bf2']),
        params['Wf3'], row(params['bf3']),
    )
    full = lambda a: pl.BlockSpec(a.shape, lambda: tuple(0 for _ in a.shape))
    out, pooled, plugx = pl.pallas_call(
        _tail_kernel,
        in_specs=[full(a) for a in args],
        out_specs=(
            pl.BlockSpec((BS, 1), lambda: (0, 0)),
            pl.BlockSpec((BS, 50), lambda: (0, 0)),
            pl.BlockSpec((BS, 4), lambda: (0, 0)),
        ),
        out_shape=(
            jax.ShapeDtypeStruct((BS, 1), jnp.float32),
            jax.ShapeDtypeStruct((BS, 50), jnp.float32),
            jax.ShapeDtypeStruct((BS, 4), jnp.float32),
        ),
    )(*args)
    return out, pooled, plugx


@jax.jit
def _kernel_impl(x_in, edge_index, gender, age, handed, params):
    th, bkt = _build_tables(params)

    tokens = jnp.clip(((x_in + 700.0) * 10.0).astype(jnp.int32), 0, VOCAB - 1)
    buckets = bkt[:, 0][tokens]

    oh = (buckets[:, :, None] == jnp.arange(BUCKET, dtype=jnp.int32)).astype(jnp.int32)
    cum = jnp.cumsum(oh, axis=1)
    rank = jnp.sum(oh * cum, axis=2) - 1
    counts = cum[:, -1, :]
    offs = jnp.concatenate(
        [jnp.zeros((N_NODES, 1), jnp.int32), jnp.cumsum(counts, axis=1)[:, :-1]],
        axis=1)
    dest = jnp.sum(oh * offs[:, None, :], axis=2) + rank

    rows = jnp.arange(N_NODES, dtype=jnp.int32)[:, None]
    ii = jnp.broadcast_to(jnp.arange(SEQ, dtype=jnp.int32)[None, :], (N_NODES, SEQ))
    order = jnp.zeros((N_NODES, SEQ), jnp.int32).at[rows, dest].set(ii)
    tokens_sorted = jnp.zeros((N_NODES, SEQ), jnp.int32).at[rows, dest].set(tokens)
    flat = tokens_sorted.reshape(-1)

    gh = th[flat].reshape(N_NODES * NCHUNK, BUCKET, DIM)
    ps = order.reshape(N_NODES * NCHUNK, BUCKET)

    out_sorted = _run_attention(gh, ps, params).reshape(N_NODES, SEQ)
    x = (jnp.take_along_axis(out_sorted, dest[:, :REF_OUT], axis=1)
         + params['b_mean']) / 10.0

    ei = edge_index.astype(jnp.int32)
    src2d = ei[0].reshape(SEQ, 1)
    dst2d = ei[1].reshape(SEQ, 1)
    out, pooled, plugx = _run_tail(x, src2d, dst2d, gender, age, handed, params)
    x_emb = jnp.concatenate([pooled, plugx], axis=1)
    return out, x_emb


def kernel(x_in, edge_index, gender, age, handed, params):
    return _kernel_impl(x_in, edge_index, gender, age, handed, params)

# --- scband reference (transcript-rebuilt; emitter-appended) ---
"""Pipeline reference for scband-sage-reformer-lstmraw-plugin-age-gender-handed-one-hot-att-fast-90692529422804 (READ-ONLY COPY).

The authoritative reference and input builder live on the scoring server;
editing this copy changes nothing except your own understanding.
"""

import jax, jax.numpy as jnp
import numpy as np

N_NODES = 128
SEQ = 2048
BS = 16
VOCAB = 20000
EMB = 128
DIM = 128
DH = 64
BUCKET = 64
NROT = 32
REF_OUT = 640


def _glorot(key, shape):
    fan = shape[0] + shape[-1]
    return (jax.random.normal(key, shape, dtype=jnp.float32) * jnp.sqrt(2.0 / fan)).astype(jnp.float32)


def _reformer(x_in, params):
    # faithful to forward_reformer: tokens = int((x+700)*10), per-node Reformer-style
    # LSH-bucketed causal attention (bucket_size=64), mean over vocab logits folded
    # into w_mean (= W_out.mean(axis=0)), take first 640 positions, divide by m_factor,
    # all under stop_gradient (torch.no_grad in original).
    S = x_in.shape[1]
    tokens = jnp.clip(((x_in + 700.0) * 10.0).astype(jnp.int32), 0, VOCAB - 1)
    pos = jnp.arange(S)

    def per_node(tok):
        e = jnp.take(params['token_emb'], tok, axis=0)
        h = e @ params['W_in'] + params['b_in']
        rp = h @ params['R']
        buckets = jnp.argmax(jnp.concatenate([rp, -rp], axis=-1), axis=-1)
        order = jnp.argsort(buckets * S + pos)
        hs = jnp.take(h, order, axis=0)
        q = hs @ params['Wq']
        k = hs @ params['Wk']
        v = hs @ params['Wv']
        nb = S // BUCKET
        qc = q.reshape(nb, BUCKET, DH)
        kc = k.reshape(nb, BUCKET, DH)
        vc = v.reshape(nb, BUCKET, DH)
        ps = order.reshape(nb, BUCKET)
        sc = jnp.einsum('bqd,bkd->bqk', qc, kc) / jnp.sqrt(float(DH))
        mask = ps[:, :, None] >= ps[:, None, :]
        sc = jnp.where(mask, sc, -1e9)
        attn = jax.nn.softmax(sc, axis=-1)
        oc = jnp.einsum('bqk,bkd->bqd', attn, vc).reshape(S, DH)
        o = jnp.take(oc, jnp.argsort(order), axis=0)
        h2 = h + o @ params['Wo']
        return (h2 @ params['w_mean'] + params['b_mean'])[:REF_OUT]

    out = jax.lax.map(per_node, tokens)
    return jax.lax.stop_gradient(out / 10.0)


def _gcn(x, src, dst, W, b, n):
    xw = x @ W
    loop = jnp.arange(n)
    s = jnp.concatenate([src, loop])
    d = jnp.concatenate([dst, loop])
    deg = jax.ops.segment_sum(jnp.ones(s.shape[0], dtype=x.dtype), d, num_segments=n)
    dinv = jnp.where(deg > 0, 1.0 / jnp.sqrt(deg), 0.0)
    norm = dinv[s] * dinv[d]
    msg = jnp.take(xw, s, axis=0) * norm[:, None]
    return jax.ops.segment_sum(msg, d, num_segments=n) + b


def _sage(x, src, dst, Wn, Wr, b, n):
    agg = jax.ops.segment_sum(jnp.take(x, src, axis=0), dst, num_segments=n)
    cnt = jax.ops.segment_sum(jnp.ones(src.shape[0], dtype=x.dtype), dst, num_segments=n)
    mean = agg / jnp.clip(cnt, 1.0, None)[:, None]
    return mean @ Wn + x @ Wr + b


def _bn(x):
    m = jnp.mean(x, axis=0)
    v = jnp.var(x, axis=0)
    return (x - m) / jnp.sqrt(v + 1e-5)


def _plug_attn(x, params):
    B = x.shape[0]
    q = (x @ params['Wq_a'] + params['bq_a']).reshape(B, 1, 4, 8)
    k = (x @ params['Wk_a'] + params['bk_a']).reshape(B, 1, 4, 8)
    v = (x @ params['Wv_a'] + params['bv_a']).reshape(B, 1, 4, 8)
    sc = jnp.matmul(q, jnp.swapaxes(k, 2, 3)) / jnp.sqrt(8.0)
    scs = sc[:, 0]
    u = jax.random.uniform(jax.random.key(1234), scs.shape)
    g = -jnp.log(-jnp.log(u + 1e-20) + 1e-20)
    attn = jax.nn.softmax(scs + g, axis=-1) * jnp.sqrt(8.0)
    attn = attn.reshape(B, 1, 4, 4)
    o = jnp.matmul(attn, v).reshape(B, 8, 4).reshape(B, -1)
    return o @ params['Wfc'] + params['bfc']


def _forward(x_in, edge_index, gender, age, handed, params):
    ei = edge_index.astype(jnp.int32)
    src, dst = ei[0], ei[1]
    n = x_in.shape[0]
    x_in = x_in[:, :8192]
    x = _reformer(x_in, params)
    x = _bn(jax.nn.leaky_relu(_gcn(x, src, dst, params['W_g1'], params['b_g1'], n), 0.01))
    x = _bn(jax.nn.leaky_relu(_sage(x, src, dst, params['Wn2'], params['Wr2'], params['b2'], n), 0.01))
    x = _bn(jax.nn.leaky_relu(_sage(x, src, dst, params['Wn3'], params['Wr3'], params['b3'], n), 0.01))
    x = _bn(jax.nn.leaky_relu(_sage(x, src, dst, params['Wn4'], params['Wr4'], params['b4'], n), 0.01))
    blen = n // BS
    batch = jnp.arange(n) // blen
    pooled = jax.ops.segment_sum(x, batch, num_segments=BS)
    plug = jnp.concatenate([gender, age, handed], axis=1)
    plugx = _plug_attn(plug, params)
    xcat = jnp.concatenate([pooled, plugx], axis=1)
    x_emb = xcat
    h = xcat @ params['Wf1'] + params['bf1']
    h = h @ params['Wf2'] + params['bf2']
    out = h @ params['Wf3'] + params['bf3']
    return out, x_emb


def setup_inputs(seed: int = 0):
    key = jax.random.key(seed)
    ks = jax.random.split(key, 32)
    params = {
        'token_emb': _glorot(ks[0], (VOCAB, EMB)),
        'W_in': _glorot(ks[1], (EMB, DIM)),
        'b_in': jnp.zeros((DIM,), jnp.float32),
        'R': jax.random.normal(ks[2], (DIM, NROT), dtype=jnp.float32),
        'Wq': _glorot(ks[3], (DIM, DH)),
        'Wk': _glorot(ks[4], (DIM, DH)),
        'Wv': _glorot(ks[5], (DIM, DH)),
        'Wo': _glorot(ks[6], (DH, DIM)),
        'w_mean': jax.random.normal(ks[7], (DIM,), dtype=jnp.float32) * 0.02,
        'b_mean': jnp.zeros((), jnp.float32),
        'W_g1': _glorot(ks[8], (REF_OUT, 320)),
        'b_g1': jnp.zeros((320,), jnp.float32),
        'Wn2': _glorot(ks[9], (320, 180)),
        'Wr2': _glorot(ks[10], (320, 180)),
        'b2': jnp.zeros((180,), jnp.float32),
        'Wn3': _glorot(ks[11], (180, 90)),
        'Wr3': _glorot(ks[12], (180, 90)),
        'b3': jnp.zeros((90,), jnp.float32),
        'Wn4': _glorot(ks[13], (90, 50)),
        'Wr4': _glorot(ks[14], (90, 50)),
        'b4': jnp.zeros((50,), jnp.float32),
        'Wq_a': _glorot(ks[15], (8, 32)),
        'bq_a': jnp.zeros((32,), jnp.float32),
        'Wk_a': _glorot(ks[16], (8, 32)),
        'bk_a': jnp.zeros((32,), jnp.float32),
        'Wv_a': _glorot(ks[17], (8, 32)),
        'bv_a': jnp.zeros((32,), jnp.float32),
        'Wfc': _glorot(ks[18], (32, 4)),
        'bfc': jnp.zeros((4,), jnp.float32),
        'Wf1': _glorot(ks[19], (54, 32)),
        'bf1': jnp.zeros((32,), jnp.float32),
        'Wf2': _glorot(ks[20], (32, 16)),
        'bf2': jnp.zeros((16,), jnp.float32),
        'Wf3': _glorot(ks[21], (16, 1)),
        'bf3': jnp.zeros((1,), jnp.float32),
    }
    x_in = jax.random.normal(ks[22], (N_NODES, SEQ), dtype=jnp.float32) * 30.0
    edge_index = jax.random.randint(ks[23], (2, N_NODES * 16), 0, N_NODES)
    gender = jax.random.uniform(ks[24], (BS, 3), dtype=jnp.float32)
    age = jax.random.uniform(ks[25], (BS, 1), dtype=jnp.float32)
    handed = jax.random.uniform(ks[26], (BS, 4), dtype=jnp.float32)
    return {'x_in': x_in, 'edge_index': edge_index, 'gender': gender, 'age': age, 'handed': handed, 'params': params}


def reference(x_in, edge_index, gender, age, handed, params):
    return _forward(x_in, edge_index, gender, age, handed, params)

if __name__ == "__main__":
    import jax
    _d = setup_inputs()
    print(jax.jit(kernel)(*tuple(_d.values())))

</pallas_src>

<mosaic_0001>
module attributes {stable_mosaic.version = 14 : i64} {
  func.func @_table_kernel(%arg0: i32, %arg1: memref<1000x128xf32, #tpu.memory_space<vmem>>, %arg2: memref<128x128xf32, #tpu.memory_space<vmem>>, %arg3: memref<1x128xf32, #tpu.memory_space<vmem>>, %arg4: memref<128x32xf32, #tpu.memory_space<vmem>>, %arg5: memref<1000x128xf32, #tpu.memory_space<vmem>>, %arg6: memref<1000x1xi32, #tpu.memory_space<vmem>>) attributes {dimension_semantics = [#tpu.dimension_semantics<arbitrary>], iteration_bounds = array<i64: 20>, scalar_prefetch = 0 : i64, scratch_operands = 0 : i64, tpu.core_type = #tpu.core_type<tc>, window_params = [{transform_indices = @transform_0, window_bounds = array<i64: 1000, 128>}, {pipeline_mode = #tpu.pipeline_mode<synchronous>, transform_indices = @transform_1, window_bounds = array<i64: 128, 128>}, {pipeline_mode = #tpu.pipeline_mode<synchronous>, transform_indices = @transform_2, window_bounds = array<i64: 1, 128>}, {pipeline_mode = #tpu.pipeline_mode<synchronous>, transform_indices = @transform_3, window_bounds = array<i64: 128, 32>}, {transform_indices = @transform_4, window_bounds = array<i64: 1000, 128>}, {transform_indices = @transform_5, window_bounds = array<i64: 1000, 1>}]} {
    %get3A = arith.constant 0 : index
    %get3A_0 = arith.constant 0 : index
    %get3A_1 = vector.load %arg1[%get3A, %get3A_0] : memref<1000x128xf32, #tpu.memory_space<vmem>>, vector<1000x128xf32>
    %get3A_2 = arith.constant 0 : index
    %get3A_3 = arith.constant 0 : index
    %get3A_4 = vector.load %arg2[%get3A_2, %get3A_3] : memref<128x128xf32, #tpu.memory_space<vmem>>, vector<128x128xf32>
    %convert_element_type3A = arith.truncf %get3A_1 : vector<1000x128xf32> to vector<1000x128xbf16>
    %convert_element_type3A_5 = arith.truncf %get3A_4 : vector<128x128xf32> to vector<128x128xbf16>
    %dot_general3A = arith.constant dense<0.000000e+00> : vector<1000x128xf32>
    %dot_general3A_6 = tpu.matmul %convert_element_type3A, %convert_element_type3A_5, %dot_general3A {dimension_numbers = #tpu.dot_dimension_numbers<[1], [0], [0], [1], [0, 0, 1, 1], [], []>, transpose_lhs_hint = false} : vector<1000x128xbf16>, vector<128x128xbf16>, vector<1000x128xf32> -> vector<1000x128xf32>
    %get3A_7 = arith.constant 0 : index
    %get3A_8 = arith.constant 0 : index
    %get3A_9 = vector.load %arg3[%get3A_7, %get3A_8] : memref<1x128xf32, #tpu.memory_space<vmem>>, vector<1x128xf32>
    %add3A = vector.broadcast %get3A_9 : vector<1x128xf32> to vector<1000x128xf32>
    %add3A_10 = arith.addf %dot_general3A_6, %add3A : vector<1000x128xf32>
    %get3A_11 = arith.constant 0 : index
    %get3A_12 = arith.constant 0 : index
    %get3A_13 = vector.load %arg4[%get3A_11, %get3A_12] : memref<128x32xf32, #tpu.memory_space<vmem>>, vector<128x32xf32>
    %convert_element_type3A_14 = arith.truncf %add3A_10 : vector<1000x128xf32> to vector<1000x128xbf16>
    %convert_element_type3A_15 = arith.truncf %get3A_13 : vector<128x32xf32> to vector<128x32xbf16>
    %dot_general3A_16 = arith.constant dense<0.000000e+00> : vector<1000x32xf32>
    %dot_general3A_17 = tpu.matmul %convert_element_type3A_14, %convert_element_type3A_15, %dot_general3A_16 {dimension_numbers = #tpu.dot_dimension_numbers<[1], [0], [0], [1], [0, 0, 1, 1], [], []>, transpose_lhs_hint = false} : vector<1000x128xbf16>, vector<128x32xbf16>, vector<1000x32xf32> -> vector<1000x32xf32>
    %iota3A = tpu.iota {dimensions = array<i32: 1>} : vector<1000x32xi32>
    %reduce_max3A = arith.constant dense<0xFF800000> : vector<1000xf32>
    %reduce_max3A_18 = vector.multi_reduction <maximumf>, %dot_general3A_17, %reduce_max3A [1] : vector<1000x32xf32> to vector<1000xf32>
    %broadcast_in_dim3A = vector.shape_cast %reduce_max3A_18 : vector<1000xf32> to vector<1000x1xf32>
    %eq3A = vector.broadcast %broadcast_in_dim3A : vector<1000x1xf32> to vector<1000x32xf32>
    %eq3A_19 = arith.cmpf oeq, %dot_general3A_17, %eq3A : vector<1000x32xf32>
    %jit3A = arith.constant 64 : i32
    %broadcast_in_dim3A_20 = vector.broadcast %jit3A : i32 to vector<1000x32xi32>
    %select_n3A = arith.select %eq3A_19, %iota3A, %broadcast_in_dim3A_20 : vector<1000x32xi1>, vector<1000x32xi32>
    %reduce_min3A = arith.constant dense<2147483647> : vector<1000xi32>
    %reduce_min3A_21 = vector.multi_reduction <minsi>, %select_n3A, %reduce_min3A [1] : vector<1000x32xi32> to vector<1000xi32>
    %broadcast_in_dim3A_22 = vector.shape_cast %reduce_min3A_21 : vector<1000xi32> to vector<1000x1xi32>
    %neg3A = arith.constant 0.000000e+00 : f32
    %neg3A_23 = vector.broadcast %neg3A : f32 to vector<1000x32xf32>
    %neg3A_24 = arith.subf %neg3A_23, %dot_general3A_17 : vector<1000x32xf32>
    %reduce_max3A_25 = arith.constant dense<0xFF800000> : vector<1000xf32>
    %reduce_max3A_26 = vector.multi_reduction <maximumf>, %neg3A_24, %reduce_max3A_25 [1] : vector<1000x32xf32> to vector<1000xf32>
    %broadcast_in_dim3A_27 = vector.shape_cast %reduce_max3A_26 : vector<1000xf32> to vector<1000x1xf32>
    %neg3A_28 = arith.constant 0.000000e+00 : f32
    %neg3A_29 = vector.broadcast %neg3A_28 : f32 to vector<1000x32xf32>
    %neg3A_30 = arith.subf %neg3A_29, %dot_general3A_17 : vector<1000x32xf32>
    %eq3A_31 = vector.broadcast %broadcast_in_dim3A_27 : vector<1000x1xf32> to vector<1000x32xf32>
    %eq3A_32 = arith.cmpf oeq, %neg3A_30, %eq3A_31 : vector<1000x32xf32>
    %jit3A_33 = arith.constant 64 : i32
    %broadcast_in_dim3A_34 = vector.broadcast %jit3A_33 : i32 to vector<1000x32xi32>
    %select_n3A_35 = arith.select %eq3A_32, %iota3A, %broadcast_in_dim3A_34 : vector<1000x32xi1>, vector<1000x32xi32>
    %reduce_min3A_36 = arith.constant dense<2147483647> : vector<1000xi32>
    %reduce_min3A_37 = vector.multi_reduction <minsi>, %select_n3A_35, %reduce_min3A_36 [1] : vector<1000x32xi32> to vector<1000xi32>
    %broadcast_in_dim3A_38 = vector.shape_cast %reduce_min3A_37 : vector<1000xi32> to vector<1000x1xi32>
    %ge3A = arith.cmpf oge, %broadcast_in_dim3A, %broadcast_in_dim3A_27 : vector<1000x1xf32>
    %add3A_39 = arith.constant 32 : i32
    %add3A_40 = vector.broadcast %add3A_39 : i32 to vector<1000x1xi32>
    %add3A_41 = arith.addi %add3A_40, %broadcast_in_dim3A_38 : vector<1000x1xi32>
    %select_n3A_42 = arith.select %ge3A, %broadcast_in_dim3A_22, %add3A_41 : vector<1000x1xi1>, vector<1000x1xi32>
    %swap3A = arith.constant 0 : index
    %swap3A_43 = arith.constant 0 : index
    %swap3A_44 = vector.load %arg6[%swap3A, %swap3A_43] : memref<1000x1xi32, #tpu.memory_space<vmem>>, vector<1000x1xi32>
    tpu.vector_store %arg6[%swap3A, %swap3A_43], %select_n3A_42 {strides = array<i32>} : memref<1000x1xi32, #tpu.memory_space<vmem>>, vector<1000x1xi32>,
    %swap3A_45 = arith.constant 0 : index
    %swap3A_46 = arith.constant 0 : index
    %swap3A_47 = vector.load %arg5[%swap3A_45, %swap3A_46] : memref<1000x128xf32, #tpu.memory_space<vmem>>, vector<1000x128xf32>
    tpu.vector_store %arg5[%swap3A_45, %swap3A_46], %add3A_10 {strides = array<i32>} : memref<1000x128xf32, #tpu.memory_space<vmem>>, vector<1000x128xf32>,
    return
  }
  func.func @transform_0(%arg0: i32) -> (i32, i32) {
    %c0_i32 = arith.constant 0 : i32
    %c0_i32_0 = arith.constant 0 : i32
    return %arg0, %c0_i32 : i32, i32
  }
  func.func @transform_1(%arg0: i32) -> (i32, i32) {
    %c0_i32 = arith.constant 0 : i32
    %c0_i32_0 = arith.constant 0 : i32
    %c0_i32_1 = arith.constant 0 : i32
    return %c0_i32, %c0_i32_0 : i32, i32
  }
  func.func @transform_2(%arg0: i32) -> (i32, i32) {
    %c0_i32 = arith.constant 0 : i32
    %c0_i32_0 = arith.constant 0 : i32
    %c0_i32_1 = arith.constant 0 : i32
    return %c0_i32, %c0_i32_0 : i32, i32
  }
  func.func @transform_3(%arg0: i32) -> (i32, i32) {
    %c0_i32 = arith.constant 0 : i32
    %c0_i32_0 = arith.constant 0 : i32
    %c0_i32_1 = arith.constant 0 : i32
    return %c0_i32, %c0_i32_0 : i32, i32
  }
  func.func @transform_4(%arg0: i32) -> (i32, i32) {
    %c0_i32 = arith.constant 0 : i32
    %c0_i32_0 = arith.constant 0 : i32
    return %arg0, %c0_i32 : i32, i32
  }
  func.func @transform_5(%arg0: i32) -> (i32, i32) {
    %c0_i32 = arith.constant 0 : i32
    %c0_i32_0 = arith.constant 0 : i32
    return %arg0, %c0_i32 : i32, i32
  }
}

module attributes {stable_mosaic.version = 14 : i64} {
  func.func @_attn_kernel(%arg0: i32, %arg1: memref<32x64x128xf32, #tpu.memory_space<vmem>>, %arg2: memref<32x64xi32, #tpu.memory_space<vmem>>, %arg3: memref<128x64xf32, #tpu.memory_space<vmem>>, %arg4: memref<128x64xf32, #tpu.memory_space<vmem>>, %arg5: memref<128x64xf32, #tpu.memory_space<vmem>>, %arg6: memref<64x128xf32, #tpu.memory_space<vmem>>, %arg7: memref<1x128xf32, #tpu.memory_space<vmem>>, %arg8: memref<32x64xf32, #tpu.memory_space<vmem>>) attributes {dimension_semantics = [#tpu.dimension_semantics<arbitrary>], iteration_bounds = array<i64: 128>, scalar_prefetch = 0 : i64, scratch_operands = 0 : i64, tpu.core_type = #tpu.core_type<tc>, window_params = [{transform_indices = @transform_0, window_bounds = array<i64: 32, 64, 128>}, {transform_indices = @transform_1, window_bounds = array<i64: 32, 64>}, {pipeline_mode = #tpu.pipeline_mode<synchronous>, transform_indices = @transform_2, window_bounds = array<i64: 128, 64>}, {pipeline_mode = #tpu.pipeline_mode<synchronous>, transform_indices = @transform_3, window_bounds = array<i64: 128, 64>}, {pipeline_mode = #tpu.pipeline_mode<synchronous>, transform_indices = @transform_4, window_bounds = array<i64: 128, 64>}, {pipeline_mode = #tpu.pipeline_mode<synchronous>, transform_indices = @transform_5, window_bounds = array<i64: 64, 128>}, {pipeline_mode = #tpu.pipeline_mode<synchronous>, transform_indices = @transform_6, window_bounds = array<i64: 1, 128>}, {transform_indices = @transform_7, window_bounds = array<i64: 32, 64>}]} {
    %get3A = arith.constant 0 : index
    %get3A_0 = arith.constant 0 : index
    %get3A_1 = arith.constant 0 : index
    %get3A_2 = vector.load %arg1[%get3A, %get3A_0, %get3A_1] : memref<32x64x128xf32, #tpu.memory_space<vmem>>, vector<32x64x128xf32>
    %reshape3A = vector.shape_cast %get3A_2 : vector<32x64x128xf32> to vector<2048x128xf32>
    %get3A_3 = arith.constant 0 : index
    %get3A_4 = arith.constant 0 : index
    %get3A_5 = vector.load %arg3[%get3A_3, %get3A_4] : memref<128x64xf32, #tpu.memory_space<vmem>>, vector<128x64xf32>
    %convert_element_type3A = arith.truncf %reshape3A : vector<2048x128xf32> to vector<2048x128xbf16>
    %convert_element_type3A_6 = arith.truncf %get3A_5 : vector<128x64xf32> to vector<128x64xbf16>
    %dot_general3A = arith.constant dense<0.000000e+00> : vector<2048x64xf32>
    %dot_general3A_7 = tpu.matmul %convert_element_type3A, %convert_element_type3A_6, %dot_general3A {dimension_numbers = #tpu.dot_dimension_numbers<[1], [0], [0], [1], [0, 0, 1, 1], [], []>, transpose_lhs_hint = false} : vector<2048x128xbf16>, vector<128x64xbf16>, vector<2048x64xf32> -> vector<2048x64xf32>
    %reshape3A_8 = vector.shape_cast %dot_general3A_7 : vector<2048x64xf32> to vector<32x64x64xf32>
    %get3A_9 = arith.constant 0 : index
    %get3A_10 = arith.constant 0 : index
    %get3A_11 = vector.load %arg4[%get3A_9, %get3A_10] : memref<128x64xf32, #tpu.memory_space<vmem>>, vector<128x64xf32>
    %convert_element_type3A_12 = arith.truncf %reshape3A : vector<2048x128xf32> to vector<2048x128xbf16>
    %convert_element_type3A_13 = arith.truncf %get3A_11 : vector<128x64xf32> to vector<128x64xbf16>
    %dot_general3A_14 = arith.constant dense<0.000000e+00> : vector<2048x64xf32>
    %dot_general3A_15 = tpu.matmul %convert_element_type3A_12, %convert_element_type3A_13, %dot_general3A_14 {dimension_numbers = #tpu.dot_dimension_numbers<[1], [0], [0], [1], [0, 0, 1, 1], [], []>, transpose_lhs_hint = false} : vector<2048x128xbf16>, vector<128x64xbf16>, vector<2048x64xf32> -> vector<2048x64xf32>
    %reshape3A_16 = vector.shape_cast %dot_general3A_15 : vector<2048x64xf32> to vector<32x64x64xf32>
    %get3A_17 = arith.constant 0 : index
    %get3A_18 = arith.constant 0 : index
    %get3A_19 = vector.load %arg5[%get3A_17, %get3A_18] : memref<128x64xf32, #tpu.memory_space<vmem>>, vector<128x64xf32>
    %convert_element_type3A_20 = arith.truncf %reshape3A : vector<2048x128xf32> to vector<2048x128xbf16>
    %convert_element_type3A_21 = arith.truncf %get3A_19 : vector<128x64xf32> to vector<128x64xbf16>
    %dot_general3A_22 = arith.constant dense<0.000000e+00> : vector<2048x64xf32>
    %dot_general3A_23 = tpu.matmul %convert_element_type3A_20, %convert_element_type3A_21, %dot_general3A_22 {dimension_numbers = #tpu.dot_dimension_numbers<[1], [0], [0], [1], [0, 0, 1, 1], [], []>, transpose_lhs_hint = false} : vector<2048x128xbf16>, vector<128x64xbf16>, vector<2048x64xf32> -> vector<2048x64xf32>
    %reshape3A_24 = vector.shape_cast %dot_general3A_23 : vector<2048x64xf32> to vector<32x64x64xf32>
    %get3A_25 = arith.constant 0 : index
    %get3A_26 = arith.constant 0 : index
    %get3A_27 = vector.load %arg2[%get3A_25, %get3A_26] : memref<32x64xi32, #tpu.memory_space<vmem>>, vector<32x64xi32>
    %convert_element_type3A_28 = arith.truncf %reshape3A_8 : vector<32x64x64xf32> to vector<32x64x64xbf16>
    %convert_element_type3A_29 = arith.truncf %reshape3A_16 : vector<32x64x64xf32> to vector<32x64x64xbf16>
    %dot_general3A_30 = arith.constant dense<0.000000e+00> : vector<32x64x64xf32>
    %dot_general3A_31 = tpu.matmul %convert_element_type3A_28, %convert_element_type3A_29, %dot_general3A_30 {dimension_numbers = #tpu.dot_dimension_numbers<[2], [2], [1], [1], [0, 0, 0, 1, 1, 1], [0], [0]>, transpose_lhs_hint = false} : vector<32x64x64xbf16>, vector<32x64x64xbf16>, vector<32x64x64xf32> -> vector<32x64x64xf32>
    %mul3A = arith.constant 1.250000e-01 : f32
    %mul3A_32 = vector.broadcast %mul3A : f32 to vector<32x64x64xf32>
    %mul3A_33 = arith.mulf %dot_general3A_31, %mul3A_32 : vector<32x64x64xf32>
    %broadcast_in_dim3A = vector.shape_cast %get3A_27 : vector<32x64xi32> to vector<32x64x1xi32>
    %broadcast_in_dim3A_34 = vector.shape_cast %get3A_27 : vector<32x64xi32> to vector<32x1x64xi32>
    %ge3A = vector.broadcast %broadcast_in_dim3A : vector<32x64x1xi32> to vector<32x64x64xi32>
    %ge3A_35 = vector.broadcast %broadcast_in_dim3A_34 : vector<32x1x64xi32> to vector<32x64x64xi32>
    %ge3A_36 = arith.cmpi sge, %ge3A, %ge3A_35 : vector<32x64x64xi32>
    %jit3A = arith.constant -1.000000e+09 : f32
    %broadcast_in_dim3A_37 = vector.broadcast %jit3A : f32 to vector<32x64x64xf32>
    %select_n3A = arith.select %ge3A_36, %mul3A_33, %broadcast_in_dim3A_37 : vector<32x64x64xi1>, vector<32x64x64xf32>
    %reduce_max3A = arith.constant dense<0xFF800000> : vector<32x64xf32>
    %reduce_max3A_38 = vector.multi_reduction <maximumf>, %select_n3A, %reduce_max3A [2] : vector<32x64x64xf32> to vector<32x64xf32>
    %broadcast_in_dim3A_39 = vector.shape_cast %reduce_max3A_38 : vector<32x64xf32> to vector<32x64x1xf32>
    %sub3A = vector.broadcast %broadcast_in_dim3A_39 : vector<32x64x1xf32> to vector<32x64x64xf32>
    %sub3A_40 = arith.subf %select_n3A, %sub3A : vector<32x64x64xf32>
    %exp3A = math.exp %sub3A_40 : vector<32x64x64xf32>
    %reduce_sum3A = arith.constant dense<0.000000e+00> : vector<32x64xf32>
    %reduce_sum3A_41 = vector.multi_reduction <add>, %exp3A, %reduce_sum3A [2] : vector<32x64x64xf32> to vector<32x64xf32>
    %broadcast_in_dim3A_42 = vector.shape_cast %reduce_sum3A_41 : vector<32x64xf32> to vector<32x64x1xf32>
    %div3A = vector.broadcast %broadcast_in_dim3A_42 : vector<32x64x1xf32> to vector<32x64x64xf32>
    %div3A_43 = arith.divf %exp3A, %div3A : vector<32x64x64xf32>
    %convert_element_type3A_44 = arith.truncf %div3A_43 : vector<32x64x64xf32> to vector<32x64x64xbf16>
    %convert_element_type3A_45 = arith.truncf %reshape3A_24 : vector<32x64x64xf32> to vector<32x64x64xbf16>
    %dot_general3A_46 = arith.constant dense<0.000000e+00> : vector<32x64x64xf32>
    %dot_general3A_47 = tpu.matmul %convert_element_type3A_44, %convert_element_type3A_45, %dot_general3A_46 {dimension_numbers = #tpu.dot_dimension_numbers<[2], [1], [1], [2], [0, 0, 0, 1, 1, 2], [0], [0]>, transpose_lhs_hint = false} : vector<32x64x64xbf16>, vector<32x64x64xbf16>, vector<32x64x64xf32> -> vector<32x64x64xf32>
    %reshape3A_48 = vector.shape_cast %dot_general3A_47 : vector<32x64x64xf32> to vector<2048x64xf32>
    %get3A_49 = arith.constant 0 : index
    %get3A_50 = arith.constant 0 : index
    %get3A_51 = vector.load %arg6[%get3A_49, %get3A_50] : memref<64x128xf32, #tpu.memory_space<vmem>>, vector<64x128xf32>
    %convert_element_type3A_52 = arith.truncf %reshape3A_48 : vector<2048x64xf32> to vector<2048x64xbf16>
    %convert_element_type3A_53 = arith.truncf %get3A_51 : vector<64x128xf32> to vector<64x128xbf16>
    %dot_general3A_54 = arith.constant dense<0.000000e+00> : vector<2048x128xf32>
    %dot_general3A_55 = tpu.matmul %convert_element_type3A_52, %convert_element_type3A_53, %dot_general3A_54 {dimension_numbers = #tpu.dot_dimension_numbers<[1], [0], [0], [1], [0, 0, 1, 1], [], []>, transpose_lhs_hint = false} : vector<2048x64xbf16>, vector<64x128xbf16>, vector<2048x128xf32> -> vector<2048x128xf32>
    %add3A = arith.addf %reshape3A, %dot_general3A_55 : vector<2048x128xf32>
    %reshape3A_56 = vector.shape_cast %add3A : vector<2048x128xf32> to vector<32x64x128xf32>
    %get3A_57 = arith.constant 0 : index
    %get3A_58 = arith.constant 0 : index
    %get3A_59 = vector.load %arg7[%get3A_57, %get3A_58] : memref<1x128xf32, #tpu.memory_space<vmem>>, vector<1x128xf32>
    %convert_element_type3A_60 = arith.truncf %get3A_59 : vector<1x128xf32> to vector<1x128xbf16>
    %convert_element_type3A_61 = arith.extf %convert_element_type3A_60 : vector<1x128xbf16> to vector<1x128xf32>
    %convert_element_type3A_62 = arith.truncf %reshape3A_56 : vector<32x64x128xf32> to vector<32x64x128xbf16>
    %convert_element_type3A_63 = arith.extf %convert_element_type3A_62 : vector<32x64x128xbf16> to vector<32x64x128xf32>
    %broadcast_in_dim3A_64 = vector.shape_cast %convert_element_type3A_61 : vector<1x128xf32> to vector<1x1x128xf32>
    %mul3A_65 = vector.broadcast %broadcast_in_dim3A_64 : vector<1x1x128xf32> to vector<32x64x128xf32>
    %mul3A_66 = arith.mulf %convert_element_type3A_63, %mul3A_65 : vector<32x64x128xf32>
    %reduce_sum3A_67 = arith.constant dense<0.000000e+00> : vector<32x64xf32>
    %reduce_sum3A_68 = vector.multi_reduction <add>, %mul3A_66, %reduce_sum3A_67 [2] : vector<32x64x128xf32> to vector<32x64xf32>
    %swap3A = arith.constant 0 : index
    %swap3A_69 = arith.constant 0 : index
    %swap3A_70 = vector.load %arg8[%swap3A, %swap3A_69] : memref<32x64xf32, #tpu.memory_space<vmem>>, vector<32x64xf32>
    tpu.vector_store %arg8[%swap3A, %swap3A_69], %reduce_sum3A_68 {strides = array<i32>} : memref<32x64xf32, #tpu.memory_space<vmem>>, vector<32x64xf32>,
    return
  }
  func.func @transform_0(%arg0: i32) -> (i32, i32, i32) {
    %c0_i32 = arith.constant 0 : i32
    %c0_i32_0 = arith.constant 0 : i32
    %c0_i32_1 = arith.constant 0 : i32
    return %arg0, %c0_i32, %c0_i32_0 : i32, i32, i32
  }
  func.func @transform_1(%arg0: i32) -> (i32, i32) {
    %c0_i32 = arith.constant 0 : i32
    %c0_i32_0 = arith.constant 0 : i32
    return %arg0, %c0_i32 : i32, i32
  }
  func.func @transform_2(%arg0: i32) -> (i32, i32) {
    %c0_i32 = arith.constant 0 : i32
    %c0_i32_0 = arith.constant 0 : i32
    %c0_i32_1 = arith.constant 0 : i32
    return %c0_i32, %c0_i32_0 : i32, i32
  }
  func.func @transform_3(%arg0: i32) -> (i32, i32) {
    %c0_i32 = arith.constant 0 : i32
    %c0_i32_0 = arith.constant 0 : i32
    %c0_i32_1 = arith.constant 0 : i32
    return %c0_i32, %c0_i32_0 : i32, i32
  }
  func.func @transform_4(%arg0: i32) -> (i32, i32) {
    %c0_i32 = arith.constant 0 : i32
    %c0_i32_0 = arith.constant 0 : i32
    %c0_i32_1 = arith.constant 0 : i32
    return %c0_i32, %c0_i32_0 : i32, i32
  }
  func.func @transform_5(%arg0: i32) -> (i32, i32) {
    %c0_i32 = arith.constant 0 : i32
    %c0_i32_0 = arith.constant 0 : i32
    %c0_i32_1 = arith.constant 0 : i32
    return %c0_i32, %c0_i32_0 : i32, i32
  }
  func.func @transform_6(%arg0: i32) -> (i32, i32) {
    %c0_i32 = arith.constant 0 : i32
    %c0_i32_0 = arith.constant 0 : i32
    %c0_i32_1 = arith.constant 0 : i32
    return %c0_i32, %c0_i32_0 : i32, i32
  }
  func.func @transform_7(%arg0: i32) -> (i32, i32) {
    %c0_i32 = arith.constant 0 : i32
    %c0_i32_0 = arith.constant 0 : i32
    return %arg0, %c0_i32 : i32, i32
  }
}

module attributes {stable_mosaic.version = 14 : i64} {
  func.func @_tail_kernel(%arg0: memref<128x640xf32, #tpu.memory_space<vmem>>, %arg1: memref<2048x1xi32, #tpu.memory_space<vmem>>, %arg2: memref<2048x1xi32, #tpu.memory_space<vmem>>, %arg3: memref<640x320xf32, #tpu.memory_space<vmem>>, %arg4: memref<1x320xf32, #tpu.memory_space<vmem>>, %arg5: memref<320x180xf32, #tpu.memory_space<vmem>>, %arg6: memref<320x180xf32, #tpu.memory_space<vmem>>, %arg7: memref<1x180xf32, #tpu.memory_space<vmem>>, %arg8: memref<180x90xf32, #tpu.memory_space<vmem>>, %arg9: memref<180x90xf32, #tpu.memory_space<vmem>>, %arg10: memref<1x90xf32, #tpu.memory_space<vmem>>, %arg11: memref<90x50xf32, #tpu.memory_space<vmem>>, %arg12: memref<90x50xf32, #tpu.memory_space<vmem>>, %arg13: memref<1x50xf32, #tpu.memory_space<vmem>>, %arg14: memref<16x8xf32, #tpu.memory_space<vmem>>, %arg15: memref<16x16xf32, #tpu.memory_space<vmem>>, %arg16: memref<8x32xf32, #tpu.memory_space<vmem>>, %arg17: memref<1x32xf32, #tpu.memory_space<vmem>>, %arg18: memref<8x32xf32, #tpu.memory_space<vmem>>, %arg19: memref<1x32xf32, #tpu.memory_space<vmem>>, %arg20: memref<8x32xf32, #tpu.memory_space<vmem>>, %arg21: memref<1x32xf32, #tpu.memory_space<vmem>>, %arg22: memref<32x4xf32, #tpu.memory_space<vmem>>, %arg23: memref<1x4xf32, #tpu.memory_space<vmem>>, %arg24: memref<50x32xf32, #tpu.memory_space<vmem>>, %arg25: memref<4x32xf32, #tpu.memory_space<vmem>>, %arg26: memref<1x32xf32, #tpu.memory_space<vmem>>, %arg27: memref<32x16xf32, #tpu.memory_space<vmem>>, %arg28: memref<1x16xf32, #tpu.memory_space<vmem>>, %arg29: memref<16x1xf32, #tpu.memory_space<vmem>>, %arg30: memref<1x1xf32, #tpu.memory_space<vmem>>, %arg31: memref<16x1xf32, #tpu.memory_space<vmem>>, %arg32: memref<16x50xf32, #tpu.memory_space<vmem>>, %arg33: memref<16x4xf32, #tpu.memory_space<vmem>>) attributes {dimension_semantics = [], scalar_prefetch = 0 : i64, scratch_operands = 0 : i64, tpu.core_type = #tpu.core_type<tc>} {
    %get3A = arith.constant 0 : index
    %get3A_0 = arith.constant 0 : index
    %get3A_1 = vector.load %arg0[%get3A, %get3A_0] : memref<128x640xf32, #tpu.memory_space<vmem>>, vector<128x640xf32>
    %iota3A = tpu.iota {dimensions = array<i32: 1>} : vector<2048x128xi32>
    %get3A_2 = arith.constant 0 : index
    %get3A_3 = arith.constant 0 : index
    %get3A_4 = vector.load %arg1[%get3A_2, %get3A_3] : memref<2048x1xi32, #tpu.memory_space<vmem>>, vector<2048x1xi32>
    %eq3A = vector.broadcast %get3A_4 : vector<2048x1xi32> to vector<2048x128xi32>
    %eq3A_5 = arith.cmpi eq, %eq3A, %iota3A : vector<2048x128xi32>
    %convert_element_type3A = arith.extui %eq3A_5 : vector<2048x128xi1> to vector<2048x128xi32>
    %convert_element_type3A_6 = arith.sitofp %convert_element_type3A : vector<2048x128xi32> to vector<2048x128xf32>
    %get3A_7 = arith.constant 0 : index
    %get3A_8 = arith.constant 0 : index
    %get3A_9 = vector.load %arg2[%get3A_7, %get3A_8] : memref<2048x1xi32, #tpu.memory_space<vmem>>, vector<2048x1xi32>
    %eq3A_10 = vector.broadcast %get3A_9 : vector<2048x1xi32> to vector<2048x128xi32>
    %eq3A_11 = arith.cmpi eq, %eq3A_10, %iota3A : vector<2048x128xi32>
    %convert_element_type3A_12 = arith.extui %eq3A_11 : vector<2048x128xi1> to vector<2048x128xi32>
    %convert_element_type3A_13 = arith.sitofp %convert_element_type3A_12 : vector<2048x128xi32> to vector<2048x128xf32>
    %dot_general3A = arith.constant dense<0.000000e+00> : vector<128x128xf32>
    %dot_general3A_14 = tpu.matmul %convert_element_type3A_13, %convert_element_type3A_6, %dot_general3A {dimension_numbers = #tpu.dot_dimension_numbers<[0], [0], [1], [1], [0, 1, 1, 1], [], []>, precision = #tpu.contract_precision<fp32>, transpose_lhs_hint = false} : vector<2048x128xf32>, vector<2048x128xf32>, vector<128x128xf32> -> vector<128x128xf32>
    %reduce_sum3A = arith.constant dense<0.000000e+00> : vector<128xf32>
    %reduce_sum3A_15 = vector.multi_reduction <add>, %dot_general3A_14, %reduce_sum3A [1] : vector<128x128xf32> to vector<128xf32>
    %broadcast_in_dim3A = vector.shape_cast %reduce_sum3A_15 : vector<128xf32> to vector<128x1xf32>
    %add3A = arith.constant 1.000000e+00 : f32
    %add3A_16 = vector.broadcast %add3A : f32 to vector<128x1xf32>
    %add3A_17 = arith.addf %broadcast_in_dim3A, %add3A_16 : vector<128x1xf32>
    %sqrt3A = math.sqrt %add3A_17 : vector<128x1xf32>
    %div3A = arith.constant 1.000000e+00 : f32
    %div3A_18 = vector.broadcast %div3A : f32 to vector<128x1xf32>
    %div3A_19 = arith.divf %div3A_18, %sqrt3A : vector<128x1xf32>
    %get3A_20 = arith.constant 0 : index
    %get3A_21 = arith.constant 0 : index
    %get3A_22 = vector.load %arg3[%get3A_20, %get3A_21] : memref<640x320xf32, #tpu.memory_space<vmem>>, vector<640x320xf32>
    %convert_element_type3A_23 = arith.truncf %get3A_1 : vector<128x640xf32> to vector<128x640xbf16>
    %convert_element_type3A_24 = arith.truncf %get3A_22 : vector<640x320xf32> to vector<640x320xbf16>
    %dot_general3A_25 = arith.constant dense<0.000000e+00> : vector<128x320xf32>
    %dot_general3A_26 = tpu.matmul %convert_element_type3A_23, %convert_element_type3A_24, %dot_general3A_25 {dimension_numbers = #tpu.dot_dimension_numbers<[1], [0], [0], [1], [0, 0, 1, 1], [], []>, transpose_lhs_hint = false} : vector<128x640xbf16>, vector<640x320xbf16>, vector<128x320xf32> -> vector<128x320xf32>
    %mul3A = vector.broadcast %div3A_19 : vector<128x1xf32> to vector<128x320xf32>
    %mul3A_27 = arith.mulf %dot_general3A_26, %mul3A : vector<128x320xf32>
    %dot_general3A_28 = arith.constant dense<0.000000e+00> : vector<128x320xf32>
    %dot_general3A_29 = tpu.matmul %dot_general3A_14, %mul3A_27, %dot_general3A_28 {dimension_numbers = #tpu.dot_dimension_numbers<[1], [0], [0], [1], [0, 0, 1, 1], [], []>, precision = #tpu.contract_precision<fp32>, transpose_lhs_hint = false} : vector<128x128xf32>, vector<128x320xf32>, vector<128x320xf32> -> vector<128x320xf32>
    %add3A_30 = arith.addf %dot_general3A_29, %mul3A_27 : vector<128x320xf32>
    %mul3A_31 = vector.broadcast %div3A_19 : vector<128x1xf32> to vector<128x320xf32>
    %mul3A_32 = arith.mulf %add3A_30, %mul3A_31 : vector<128x320xf32>
    %get3A_33 = arith.constant 0 : index
    %get3A_34 = arith.constant 0 : index
    %get3A_35 = vector.load %arg4[%get3A_33, %get3A_34] : memref<1x320xf32, #tpu.memory_space<vmem>>, vector<1x320xf32>
    %add3A_36 = vector.broadcast %get3A_35 : vector<1x320xf32> to vector<128x320xf32>
    %add3A_37 = arith.addf %mul3A_32, %add3A_36 : vector<128x320xf32>
    %ge3A = arith.constant 0.000000e+00 : f32
    %ge3A_38 = vector.broadcast %ge3A : f32 to vector<128x320xf32>
    %ge3A_39 = arith.cmpf oge, %add3A_37, %ge3A_38 : vector<128x320xf32>
    %mul3A_40 = arith.constant 0.00999999977 : f32
    %mul3A_41 = vector.broadcast %mul3A_40 : f32 to vector<128x320xf32>
    %mul3A_42 = arith.mulf %mul3A_41, %add3A_37 : vector<128x320xf32>
    %select_n3A = arith.select %ge3A_39, %add3A_37, %mul3A_42 : vector<128x320xi1>, vector<128x320xf32>
    %reduce_sum3A_43 = arith.constant dense<0.000000e+00> : vector<320xf32>
    %reduce_sum3A_44 = vector.multi_reduction <add>, %select_n3A, %reduce_sum3A_43 [0] : vector<128x320xf32> to vector<320xf32>
    %broadcast_in_dim3A_45 = vector.shape_cast %reduce_sum3A_44 : vector<320xf32> to vector<1x320xf32>
    %div3A_46 = arith.constant 1.280000e+02 : f32
    %div3A_47 = vector.broadcast %div3A_46 : f32 to vector<1x320xf32>
    %div3A_48 = arith.divf %broadcast_in_dim3A_45, %div3A_47 : vector<1x320xf32>
    %sub3A = vector.broadcast %div3A_48 : vector<1x320xf32> to vector<128x320xf32>
    %sub3A_49 = arith.subf %select_n3A, %sub3A : vector<128x320xf32>
    %sub3A_50 = vector.broadcast %div3A_48 : vector<1x320xf32> to vector<128x320xf32>
    %sub3A_51 = arith.subf %select_n3A, %sub3A_50 : vector<128x320xf32>
    %mul3A_52 = arith.mulf %sub3A_49, %sub3A_51 : vector<128x320xf32>
    %reduce_sum3A_53 = arith.constant dense<0.000000e+00> : vector<320xf32>
    %reduce_sum3A_54 = vector.multi_reduction <add>, %mul3A_52, %reduce_sum3A_53 [0] : vector<128x320xf32> to vector<320xf32>
    %broadcast_in_dim3A_55 = vector.shape_cast %reduce_sum3A_54 : vector<320xf32> to vector<1x320xf32>
    %div3A_56 = arith.constant 1.280000e+02 : f32
    %div3A_57 = vector.broadcast %div3A_56 : f32 to vector<1x320xf32>
    %div3A_58 = arith.divf %broadcast_in_dim3A_55, %div3A_57 : vector<1x320xf32>
    %sub3A_59 = vector.broadcast %div3A_48 : vector<1x320xf32> to vector<128x320xf32>
    %sub3A_60 = arith.subf %select_n3A, %sub3A_59 : vector<128x320xf32>
    %add3A_61 = arith.constant 9.99999974E-6 : f32
    %add3A_62 = vector.broadcast %add3A_61 : f32 to vector<1x320xf32>
    %add3A_63 = arith.addf %div3A_58, %add3A_62 : vector<1x320xf32>
    %sqrt3A_64 = math.sqrt %add3A_63 : vector<1x320xf32>
    %div3A_65 = vector.broadcast %sqrt3A_64 : vector<1x320xf32> to vector<128x320xf32>
    %div3A_66 = arith.divf %sub3A_60, %div3A_65 : vector<128x320xf32>
    %reduce_sum3A_67 = arith.constant dense<0.000000e+00> : vector<128xf32>
    %reduce_sum3A_68 = vector.multi_reduction <add>, %dot_general3A_14, %reduce_sum3A_67 [1] : vector<128x128xf32> to vector<128xf32>
    %broadcast_in_dim3A_69 = vector.shape_cast %reduce_sum3A_68 : vector<128xf32> to vector<128x1xf32>
    %jit3A = arith.constant 1.000000e+00 : f32
    %max3A = vector.broadcast %jit3A : f32 to vector<128x1xf32>
    %max3A_70 = arith.maximumf %max3A, %broadcast_in_dim3A_69 : vector<128x1xf32>
    %div3A_71 = arith.constant 1.000000e+00 : f32
    %div3A_72 = vector.broadcast %div3A_71 : f32 to vector<128x1xf32>
    %div3A_73 = arith.divf %div3A_72, %max3A_70 : vector<128x1xf32>
    %dot_general3A_74 = arith.constant dense<0.000000e+00> : vector<128x320xf32>
    %dot_general3A_75 = tpu.matmul %dot_general3A_14, %div3A_66, %dot_general3A_74 {dimension_numbers = #tpu.dot_dimension_numbers<[1], [0], [0], [1], [0, 0, 1, 1], [], []>, precision = #tpu.contract_precision<fp32>, transpose_lhs_hint = false} : vector<128x128xf32>, vector<128x320xf32>, vector<128x320xf32> -> vector<128x320xf32>
    %mul3A_76 = vector.broadcast %div3A_73 : vector<128x1xf32> to vector<128x320xf32>
    %mul3A_77 = arith.mulf %dot_general3A_75, %mul3A_76 : vector<128x320xf32>
    %get3A_78 = arith.constant 0 : index
    %get3A_79 = arith.constant 0 : index
    %get3A_80 = vector.load %arg5[%get3A_78, %get3A_79] : memref<320x180xf32, #tpu.memory_space<vmem>>, vector<320x180xf32>
    %convert_element_type3A_81 = arith.truncf %mul3A_77 : vector<128x320xf32> to vector<128x320xbf16>
    %convert_element_type3A_82 = arith.truncf %get3A_80 : vector<320x180xf32> to vector<320x180xbf16>
    %dot_general3A_83 = arith.constant dense<0.000000e+00> : vector<128x180xf32>
    %dot_general3A_84 = tpu.matmul %convert_element_type3A_81, %convert_element_type3A_82, %dot_general3A_83 {dimension_numbers = #tpu.dot_dimension_numbers<[1], [0], [0], [1], [0, 0, 1, 1], [], []>, transpose_lhs_hint = false} : vector<128x320xbf16>, vector<320x180xbf16>, vector<128x180xf32> -> vector<128x180xf32>
    %get3A_85 = arith.constant 0 : index
    %get3A_86 = arith.constant 0 : index
    %get3A_87 = vector.load %arg6[%get3A_85, %get3A_86] : memref<320x180xf32, #tpu.memory_space<vmem>>, vector<320x180xf32>
    %convert_element_type3A_88 = arith.truncf %div3A_66 : vector<128x320xf32> to vector<128x320xbf16>
    %convert_element_type3A_89 = arith.truncf %get3A_87 : vector<320x180xf32> to vector<320x180xbf16>
    %dot_general3A_90 = arith.constant dense<0.000000e+00> : vector<128x180xf32>
    %dot_general3A_91 = tpu.matmul %convert_element_type3A_88, %convert_element_type3A_89, %dot_general3A_90 {dimension_numbers = #tpu.dot_dimension_numbers<[1], [0], [0], [1], [0, 0, 1, 1], [], []>, transpose_lhs_hint = false} : vector<128x320xbf16>, vector<320x180xbf16>, vector<128x180xf32> -> vector<128x180xf32>
    %add3A_92 = arith.addf %dot_general3A_84, %dot_general3A_91 : vector<128x180xf32>
    %get3A_93 = arith.constant 0 : index
    %get3A_94 = arith.constant 0 : index
    %get3A_95 = vector.load %arg7[%get3A_93, %get3A_94] : memref<1x180xf32, #tpu.memory_space<vmem>>, vector<1x180xf32>
    %add3A_96 = vector.broadcast %get3A_95 : vector<1x180xf32> to vector<128x180xf32>
    %add3A_97 = arith.addf %add3A_92, %add3A_96 : vector<128x180xf32>
    %ge3A_98 = arith.constant 0.000000e+00 : f32
    %ge3A_99 = vector.broadcast %ge3A_98 : f32 to vector<128x180xf32>
    %ge3A_100 = arith.cmpf oge, %add3A_97, %ge3A_99 : vector<128x180xf32>
    %mul3A_101 = arith.constant 0.00999999977 : f32
    %mul3A_102 = vector.broadcast %mul3A_101 : f32 to vector<128x180xf32>
    %mul3A_103 = arith.mulf %mul3A_102, %add3A_97 : vector<128x180xf32>
    %select_n3A_104 = arith.select %ge3A_100, %add3A_97, %mul3A_103 : vector<128x180xi1>, vector<128x180xf32>
    %reduce_sum3A_105 = arith.constant dense<0.000000e+00> : vector<180xf32>
    %reduce_sum3A_106 = vector.multi_reduction <add>, %select_n3A_104, %reduce_sum3A_105 [0] : vector<128x180xf32> to vector<180xf32>
    %broadcast_in_dim3A_107 = vector.shape_cast %reduce_sum3A_106 : vector<180xf32> to vector<1x180xf32>
    %div3A_108 = arith.constant 1.280000e+02 : f32
    %div3A_109 = vector.broadcast %div3A_108 : f32 to vector<1x180xf32>
    %div3A_110 = arith.divf %broadcast_in_dim3A_107, %div3A_109 : vector<1x180xf32>
    %sub3A_111 = vector.broadcast %div3A_110 : vector<1x180xf32> to vector<128x180xf32>
    %sub3A_112 = arith.subf %select_n3A_104, %sub3A_111 : vector<128x180xf32>
    %sub3A_113 = vector.broadcast %div3A_110 : vector<1x180xf32> to vector<128x180xf32>
    %sub3A_114 = arith.subf %select_n3A_104, %sub3A_113 : vector<128x180xf32>
    %mul3A_115 = arith.mulf %sub3A_112, %sub3A_114 : vector<128x180xf32>
    %reduce_sum3A_116 = arith.constant dense<0.000000e+00> : vector<180xf32>
    %reduce_sum3A_117 = vector.multi_reduction <add>, %mul3A_115, %reduce_sum3A_116 [0] : vector<128x180xf32> to vector<180xf32>
    %broadcast_in_dim3A_118 = vector.shape_cast %reduce_sum3A_117 : vector<180xf32> to vector<1x180xf32>
    %div3A_119 = arith.constant 1.280000e+02 : f32
    %div3A_120 = vector.broadcast %div3A_119 : f32 to vector<1x180xf32>
    %div3A_121 = arith.divf %broadcast_in_dim3A_118, %div3A_120 : vector<1x180xf32>
    %sub3A_122 = vector.broadcast %div3A_110 : vector<1x180xf32> to vector<128x180xf32>
    %sub3A_123 = arith.subf %select_n3A_104, %sub3A_122 : vector<128x180xf32>
    %add3A_124 = arith.constant 9.99999974E-6 : f32
    %add3A_125 = vector.broadcast %add3A_124 : f32 to vector<1x180xf32>
    %add3A_126 = arith.addf %div3A_121, %add3A_125 : vector<1x180xf32>
    %sqrt3A_127 = math.sqrt %add3A_126 : vector<1x180xf32>
    %div3A_128 = vector.broadcast %sqrt3A_127 : vector<1x180xf32> to vector<128x180xf32>
    %div3A_129 = arith.divf %sub3A_123, %div3A_128 : vector<128x180xf32>
    %dot_general3A_130 = arith.constant dense<0.000000e+00> : vector<128x180xf32>
    %dot_general3A_131 = tpu.matmul %dot_general3A_14, %div3A_129, %dot_general3A_130 {dimension_numbers = #tpu.dot_dimension_numbers<[1], [0], [0], [1], [0, 0, 1, 1], [], []>, precision = #tpu.contract_precision<fp32>, transpose_lhs_hint = false} : vector<128x128xf32>, vector<128x180xf32>, vector<128x180xf32> -> vector<128x180xf32>
    %mul3A_132 = vector.broadcast %div3A_73 : vector<128x1xf32> to vector<128x180xf32>
    %mul3A_133 = arith.mulf %dot_general3A_131, %mul3A_132 : vector<128x180xf32>
    %get3A_134 = arith.constant 0 : index
    %get3A_135 = arith.constant 0 : index
    %get3A_136 = vector.load %arg8[%get3A_134, %get3A_135] : memref<180x90xf32, #tpu.memory_space<vmem>>, vector<180x90xf32>
    %convert_element_type3A_137 = arith.truncf %mul3A_133 : vector<128x180xf32> to vector<128x180xbf16>
    %convert_element_type3A_138 = arith.truncf %get3A_136 : vector<180x90xf32> to vector<180x90xbf16>
    %dot_general3A_139 = arith.constant dense<0.000000e+00> : vector<128x90xf32>
    %dot_general3A_140 = tpu.matmul %convert_element_type3A_137, %convert_element_type3A_138, %dot_general3A_139 {dimension_numbers = #tpu.dot_dimension_numbers<[1], [0], [0], [1], [0, 0, 1, 1], [], []>, transpose_lhs_hint = false} : vector<128x180xbf16>, vector<180x90xbf16>, vector<128x90xf32> -> vector<128x90xf32>
    %get3A_141 = arith.constant 0 : index
    %get3A_142 = arith.constant 0 : index
    %get3A_143 = vector.load %arg9[%get3A_141, %get3A_142] : memref<180x90xf32, #tpu.memory_space<vmem>>, vector<180x90xf32>
    %convert_element_type3A_144 = arith.truncf %div3A_129 : vector<128x180xf32> to vector<128x180xbf16>
    %convert_element_type3A_145 = arith.truncf %get3A_143 : vector<180x90xf32> to vector<180x90xbf16>
    %dot_general3A_146 = arith.constant dense<0.000000e+00> : vector<128x90xf32>
    %dot_general3A_147 = tpu.matmul %convert_element_type3A_144, %convert_element_type3A_145, %dot_general3A_146 {dimension_numbers = #tpu.dot_dimension_numbers<[1], [0], [0], [1], [0, 0, 1, 1], [], []>, transpose_lhs_hint = false} : vector<128x180xbf16>, vector<180x90xbf16>, vector<128x90xf32> -> vector<128x90xf32>
    %add3A_148 = arith.addf %dot_general3A_140, %dot_general3A_147 : vector<128x90xf32>
    %get3A_149 = arith.constant 0 : index
    %get3A_150 = arith.constant 0 : index
    %get3A_151 = vector.load %arg10[%get3A_149, %get3A_150] : memref<1x90xf32, #tpu.memory_space<vmem>>, vector<1x90xf32>
    %add3A_152 = vector.broadcast %get3A_151 : vector<1x90xf32> to vector<128x90xf32>
    %add3A_153 = arith.addf %add3A_148, %add3A_152 : vector<128x90xf32>
    %ge3A_154 = arith.constant 0.000000e+00 : f32
    %ge3A_155 = vector.broadcast %ge3A_154 : f32 to vector<128x90xf32>
    %ge3A_156 = arith.cmpf oge, %add3A_153, %ge3A_155 : vector<128x90xf32>
    %mul3A_157 = arith.constant 0.00999999977 : f32
    %mul3A_158 = vector.broadcast %mul3A_157 : f32 to vector<128x90xf32>
    %mul3A_159 = arith.mulf %mul3A_158, %add3A_153 : vector<128x90xf32>
    %select_n3A_160 = arith.select %ge3A_156, %add3A_153, %mul3A_159 : vector<128x90xi1>, vector<128x90xf32>
    %reduce_sum3A_161 = arith.constant dense<0.000000e+00> : vector<90xf32>
    %reduce_sum3A_162 = vector.multi_reduction <add>, %select_n3A_160, %reduce_sum3A_161 [0] : vector<128x90xf32> to vector<90xf32>
    %broadcast_in_dim3A_163 = vector.shape_cast %reduce_sum3A_162 : vector<90xf32> to vector<1x90xf32>
    %div3A_164 = arith.constant 1.280000e+02 : f32
    %div3A_165 = vector.broadcast %div3A_164 : f32 to vector<1x90xf32>
    %div3A_166 = arith.divf %broadcast_in_dim3A_163, %div3A_165 : vector<1x90xf32>
    %sub3A_167 = vector.broadcast %div3A_166 : vector<1x90xf32> to vector<128x90xf32>
    %sub3A_168 = arith.subf %select_n3A_160, %sub3A_167 : vector<128x90xf32>
    %sub3A_169 = vector.broadcast %div3A_166 : vector<1x90xf32> to vector<128x90xf32>
    %sub3A_170 = arith.subf %select_n3A_160, %sub3A_169 : vector<128x90xf32>
    %mul3A_171 = arith.mulf %sub3A_168, %sub3A_170 : vector<128x90xf32>
    %reduce_sum3A_172 = arith.constant dense<0.000000e+00> : vector<90xf32>
    %reduce_sum3A_173 = vector.multi_reduction <add>, %mul3A_171, %reduce_sum3A_172 [0] : vector<128x90xf32> to vector<90xf32>
    %broadcast_in_dim3A_174 = vector.shape_cast %reduce_sum3A_173 : vector<90xf32> to vector<1x90xf32>
    %div3A_175 = arith.constant 1.280000e+02 : f32
    %div3A_176 = vector.broadcast %div3A_175 : f32 to vector<1x90xf32>
    %div3A_177 = arith.divf %broadcast_in_dim3A_174, %div3A_176 : vector<1x90xf32>
    %sub3A_178 = vector.broadcast %div3A_166 : vector<1x90xf32> to vector<128x90xf32>
    %sub3A_179 = arith.subf %select_n3A_160, %sub3A_178 : vector<128x90xf32>
    %add3A_180 = arith.constant 9.99999974E-6 : f32
    %add3A_181 = vector.broadcast %add3A_180 : f32 to vector<1x90xf32>
    %add3A_182 = arith.addf %div3A_177, %add3A_181 : vector<1x90xf32>
    %sqrt3A_183 = math.sqrt %add3A_182 : vector<1x90xf32>
    %div3A_184 = vector.broadcast %sqrt3A_183 : vector<1x90xf32> to vector<128x90xf32>
    %div3A_185 = arith.divf %sub3A_179, %div3A_184 : vector<128x90xf32>
    %dot_general3A_186 = arith.constant dense<0.000000e+00> : vector<128x90xf32>
    %dot_general3A_187 = tpu.matmul %dot_general3A_14, %div3A_185, %dot_general3A_186 {dimension_numbers = #tpu.dot_dimension_numbers<[1], [0], [0], [1], [0, 0, 1, 1], [], []>, precision = #tpu.contract_precision<fp32>, transpose_lhs_hint = false} : vector<128x128xf32>, vector<128x90xf32>, vector<128x90xf32> -> vector<128x90xf32>
    %mul3A_188 = vector.broadcast %div3A_73 : vector<128x1xf32> to vector<128x90xf32>
    %mul3A_189 = arith.mulf %dot_general3A_187, %mul3A_188 : vector<128x90xf32>
    %get3A_190 = arith.constant 0 : index
    %get3A_191 = arith.constant 0 : index
    %get3A_192 = vector.load %arg11[%get3A_190, %get3A_191] : memref<90x50xf32, #tpu.memory_space<vmem>>, vector<90x50xf32>
    %convert_element_type3A_193 = arith.truncf %mul3A_189 : vector<128x90xf32> to vector<128x90xbf16>
    %convert_element_type3A_194 = arith.truncf %get3A_192 : vector<90x50xf32> to vector<90x50xbf16>
    %dot_general3A_195 = arith.constant dense<0.000000e+00> : vector<128x50xf32>
    %dot_general3A_196 = tpu.matmul %convert_element_type3A_193, %convert_element_type3A_194, %dot_general3A_195 {dimension_numbers = #tpu.dot_dimension_numbers<[1], [0], [0], [1], [0, 0, 1, 1], [], []>, transpose_lhs_hint = false} : vector<128x90xbf16>, vector<90x50xbf16>, vector<128x50xf32> -> vector<128x50xf32>
    %get3A_197 = arith.constant 0 : index
    %get3A_198 = arith.constant 0 : index
    %get3A_199 = vector.load %arg12[%get3A_197, %get3A_198] : memref<90x50xf32, #tpu.memory_space<vmem>>, vector<90x50xf32>
    %convert_element_type3A_200 = arith.truncf %div3A_185 : vector<128x90xf32> to vector<128x90xbf16>
    %convert_element_type3A_201 = arith.truncf %get3A_199 : vector<90x50xf32> to vector<90x50xbf16>
    %dot_general3A_202 = arith.constant dense<0.000000e+00> : vector<128x50xf32>
    %dot_general3A_203 = tpu.matmul %convert_element_type3A_200, %convert_element_type3A_201, %dot_general3A_202 {dimension_numbers = #tpu.dot_dimension_numbers<[1], [0], [0], [1], [0, 0, 1, 1], [], []>, transpose_lhs_hint = false} : vector<128x90xbf16>, vector<90x50xbf16>, vector<128x50xf32> -> vector<128x50xf32>
    %add3A_204 = arith.addf %dot_general3A_196, %dot_general3A_203 : vector<128x50xf32>
    %get3A_205 = arith.constant 0 : index
    %get3A_206 = arith.constant 0 : index
    %get3A_207 = vector.load %arg13[%get3A_205, %get3A_206] : memref<1x50xf32, #tpu.memory_space<vmem>>, vector<1x50xf32>
    %add3A_208 = vector.broadcast %get3A_207 : vector<1x50xf32> to vector<128x50xf32>
    %add3A_209 = arith.addf %add3A_204, %add3A_208 : vector<128x50xf32>
    %ge3A_210 = arith.constant 0.000000e+00 : f32
    %ge3A_211 = vector.broadcast %ge3A_210 : f32 to vector<128x50xf32>
    %ge3A_212 = arith.cmpf oge, %add3A_209, %ge3A_211 : vector<128x50xf32>
    %mul3A_213 = arith.constant 0.00999999977 : f32
    %mul3A_214 = vector.broadcast %mul3A_213 : f32 to vector<128x50xf32>
    %mul3A_215 = arith.mulf %mul3A_214, %add3A_209 : vector<128x50xf32>
    %select_n3A_216 = arith.select %ge3A_212, %add3A_209, %mul3A_215 : vector<128x50xi1>, vector<128x50xf32>
    %reduce_sum3A_217 = arith.constant dense<0.000000e+00> : vector<50xf32>
    %reduce_sum3A_218 = vector.multi_reduction <add>, %select_n3A_216, %reduce_sum3A_217 [0] : vector<128x50xf32> to vector<50xf32>
    %broadcast_in_dim3A_219 = vector.shape_cast %reduce_sum3A_218 : vector<50xf32> to vector<1x50xf32>
    %div3A_220 = arith.constant 1.280000e+02 : f32
    %div3A_221 = vector.broadcast %div3A_220 : f32 to vector<1x50xf32>
    %div3A_222 = arith.divf %broadcast_in_dim3A_219, %div3A_221 : vector<1x50xf32>
    %sub3A_223 = vector.broadcast %div3A_222 : vector<1x50xf32> to vector<128x50xf32>
    %sub3A_224 = arith.subf %select_n3A_216, %sub3A_223 : vector<128x50xf32>
    %sub3A_225 = vector.broadcast %div3A_222 : vector<1x50xf32> to vector<128x50xf32>
    %sub3A_226 = arith.subf %select_n3A_216, %sub3A_225 : vector<128x50xf32>
    %mul3A_227 = arith.mulf %sub3A_224, %sub3A_226 : vector<128x50xf32>
    %reduce_sum3A_228 = arith.constant dense<0.000000e+00> : vector<50xf32>
    %reduce_sum3A_229 = vector.multi_reduction <add>, %mul3A_227, %reduce_sum3A_228 [0] : vector<128x50xf32> to vector<50xf32>
    %broadcast_in_dim3A_230 = vector.shape_cast %reduce_sum3A_229 : vector<50xf32> to vector<1x50xf32>
    %div3A_231 = arith.constant 1.280000e+02 : f32
    %div3A_232 = vector.broadcast %div3A_231 : f32 to vector<1x50xf32>
    %div3A_233 = arith.divf %broadcast_in_dim3A_230, %div3A_232 : vector<1x50xf32>
    %sub3A_234 = vector.broadcast %div3A_222 : vector<1x50xf32> to vector<128x50xf32>
    %sub3A_235 = arith.subf %select_n3A_216, %sub3A_234 : vector<128x50xf32>
    %add3A_236 = arith.constant 9.99999974E-6 : f32
    %add3A_237 = vector.broadcast %add3A_236 : f32 to vector<1x50xf32>
    %add3A_238 = arith.addf %div3A_233, %add3A_237 : vector<1x50xf32>
    %sqrt3A_239 = math.sqrt %add3A_238 : vector<1x50xf32>
    %div3A_240 = vector.broadcast %sqrt3A_239 : vector<1x50xf32> to vector<128x50xf32>
    %div3A_241 = arith.divf %sub3A_235, %div3A_240 : vector<128x50xf32>
    %iota3A_242 = tpu.iota {dimensions = array<i32: 0>} : vector<16x128xi32>
    %iota3A_243 = tpu.iota {dimensions = array<i32: 1>} : vector<16x128xi32>
    %jit3A_244 = arith.constant 8 : i32
    %div3A_245 = vector.broadcast %jit3A_244 : i32 to vector<16x128xi32>
    %div3A_246 = arith.divsi %iota3A_243, %div3A_245 : vector<16x128xi32>
    %sign3A = arith.constant 0 : i32
    %sign3A_247 = vector.broadcast %sign3A : i32 to vector<16x128xi32>
    %sign3A_248 = arith.cmpi sgt, %iota3A_243, %sign3A_247 : vector<16x128xi32>
    %sign3A_249 = arith.extui %sign3A_248 : vector<16x128xi1> to vector<16x128xi32>
    %sign3A_250 = arith.constant 0 : i32
    %sign3A_251 = vector.broadcast %sign3A_250 : i32 to vector<16x128xi32>
    %sign3A_252 = arith.cmpi slt, %iota3A_243, %sign3A_251 : vector<16x128xi32>
    %sign3A_253 = arith.extui %sign3A_252 : vector<16x128xi1> to vector<16x128xi32>
    %sign3A_254 = arith.subi %sign3A_249, %sign3A_253 : vector<16x128xi32>
    %sign3A_255 = arith.constant 0 : i32
    %sign3A_256 = arith.cmpi sgt, %jit3A_244, %sign3A_255 : i32
    %sign3A_257 = arith.extui %sign3A_256 : i1 to i32
    %sign3A_258 = arith.constant 0 : i32
    %sign3A_259 = arith.cmpi slt, %jit3A_244, %sign3A_258 : i32
    %sign3A_260 = arith.extui %sign3A_259 : i1 to i32
    %sign3A_261 = arith.subi %sign3A_257, %sign3A_260 : i32
    %ne3A = vector.broadcast %sign3A_261 : i32 to vector<16x128xi32>
    %ne3A_262 = arith.cmpi ne, %sign3A_254, %ne3A : vector<16x128xi32>
    %rem3A = vector.broadcast %jit3A_244 : i32 to vector<16x128xi32>
    %rem3A_263 = arith.remsi %iota3A_243, %rem3A : vector<16x128xi32>
    %ne3A_264 = arith.constant 0 : i32
    %ne3A_265 = vector.broadcast %ne3A_264 : i32 to vector<16x128xi32>
    %ne3A_266 = arith.cmpi ne, %rem3A_263, %ne3A_265 : vector<16x128xi32>
    %and3A = arith.andi %ne3A_262, %ne3A_266 : vector<16x128xi1>
    %sub3A_267 = arith.constant 1 : i32
    %sub3A_268 = vector.broadcast %sub3A_267 : i32 to vector<16x128xi32>
    %sub3A_269 = arith.subi %div3A_246, %sub3A_268 : vector<16x128xi32>
    %select_n3A_270 = arith.select %and3A, %sub3A_269, %div3A_246 : vector<16x128xi1>, vector<16x128xi32>
    %eq3A_271 = arith.cmpi eq, %select_n3A_270, %iota3A_242 : vector<16x128xi32>
    %convert_element_type3A_272 = arith.extui %eq3A_271 : vector<16x128xi1> to vector<16x128xi32>
    %convert_element_type3A_273 = arith.sitofp %convert_element_type3A_272 : vector<16x128xi32> to vector<16x128xf32>
    %dot_general3A_274 = arith.constant dense<0.000000e+00> : vector<16x50xf32>
    %dot_general3A_275 = tpu.matmul %convert_element_type3A_273, %div3A_241, %dot_general3A_274 {dimension_numbers = #tpu.dot_dimension_numbers<[1], [0], [0], [1], [0, 0, 1, 1], [], []>, precision = #tpu.contract_precision<fp32>, transpose_lhs_hint = false} : vector<16x128xf32>, vector<128x50xf32>, vector<16x50xf32> -> vector<16x50xf32>
    %swap3A = arith.constant 0 : index
    %swap3A_276 = arith.constant 0 : index
    %swap3A_277 = vector.load %arg32[%swap3A, %swap3A_276] : memref<16x50xf32, #tpu.memory_space<vmem>>, vector<16x50xf32>
    tpu.vector_store %arg32[%swap3A, %swap3A_276], %dot_general3A_275 {strides = array<i32>} : memref<16x50xf32, #tpu.memory_space<vmem>>, vector<16x50xf32>,
    %get3A_278 = arith.constant 0 : index
    %get3A_279 = arith.constant 0 : index
    %get3A_280 = vector.load %arg14[%get3A_278, %get3A_279] : memref<16x8xf32, #tpu.memory_space<vmem>>, vector<16x8xf32>
    %get3A_281 = arith.constant 0 : index
    %get3A_282 = arith.constant 0 : index
    %get3A_283 = vector.load %arg15[%get3A_281, %get3A_282] : memref<16x16xf32, #tpu.memory_space<vmem>>, vector<16x16xf32>
    %get3A_284 = arith.constant 0 : index
    %get3A_285 = arith.constant 0 : index
    %get3A_286 = vector.load %arg16[%get3A_284, %get3A_285] : memref<8x32xf32, #tpu.memory_space<vmem>>, vector<8x32xf32>
    %convert_element_type3A_287 = arith.truncf %get3A_280 : vector<16x8xf32> to vector<16x8xbf16>
    %convert_element_type3A_288 = arith.truncf %get3A_286 : vector<8x32xf32> to vector<8x32xbf16>
    %dot_general3A_289 = arith.constant dense<0.000000e+00> : vector<16x32xf32>
    %dot_general3A_290 = tpu.matmul %convert_element_type3A_287, %convert_element_type3A_288, %dot_general3A_289 {dimension_numbers = #tpu.dot_dimension_numbers<[1], [0], [0], [1], [0, 0, 1, 1], [], []>, transpose_lhs_hint = false} : vector<16x8xbf16>, vector<8x32xbf16>, vector<16x32xf32> -> vector<16x32xf32>
    %get3A_291 = arith.constant 0 : index
    %get3A_292 = arith.constant 0 : index
    %get3A_293 = vector.load %arg17[%get3A_291, %get3A_292] : memref<1x32xf32, #tpu.memory_space<vmem>>, vector<1x32xf32>
    %add3A_294 = vector.broadcast %get3A_293 : vector<1x32xf32> to vector<16x32xf32>
    %add3A_295 = arith.addf %dot_general3A_290, %add3A_294 : vector<16x32xf32>
    %get3A_296 = arith.constant 0 : index
    %get3A_297 = arith.constant 0 : index
    %get3A_298 = vector.load %arg18[%get3A_296, %get3A_297] : memref<8x32xf32, #tpu.memory_space<vmem>>, vector<8x32xf32>
    %convert_element_type3A_299 = arith.truncf %get3A_280 : vector<16x8xf32> to vector<16x8xbf16>
    %convert_element_type3A_300 = arith.truncf %get3A_298 : vector<8x32xf32> to vector<8x32xbf16>
    %dot_general3A_301 = arith.constant dense<0.000000e+00> : vector<16x32xf32>
    %dot_general3A_302 = tpu.matmul %convert_element_type3A_299, %convert_element_type3A_300, %dot_general3A_301 {dimension_numbers = #tpu.dot_dimension_numbers<[1], [0], [0], [1], [0, 0, 1, 1], [], []>, transpose_lhs_hint = false} : vector<16x8xbf16>, vector<8x32xbf16>, vector<16x32xf32> -> vector<16x32xf32>
    %get3A_303 = arith.constant 0 : index
    %get3A_304 = arith.constant 0 : index
    %get3A_305 = vector.load %arg19[%get3A_303, %get3A_304] : memref<1x32xf32, #tpu.memory_space<vmem>>, vector<1x32xf32>
    %add3A_306 = vector.broadcast %get3A_305 : vector<1x32xf32> to vector<16x32xf32>
    %add3A_307 = arith.addf %dot_general3A_302, %add3A_306 : vector<16x32xf32>
    %get3A_308 = arith.constant 0 : index
    %get3A_309 = arith.constant 0 : index
    %get3A_310 = vector.load %arg20[%get3A_308, %get3A_309] : memref<8x32xf32, #tpu.memory_space<vmem>>, vector<8x32xf32>
    %convert_element_type3A_311 = arith.truncf %get3A_280 : vector<16x8xf32> to vector<16x8xbf16>
    %convert_element_type3A_312 = arith.truncf %get3A_310 : vector<8x32xf32> to vector<8x32xbf16>
    %dot_general3A_313 = arith.constant dense<0.000000e+00> : vector<16x32xf32>
    %dot_general3A_314 = tpu.matmul %convert_element_type3A_311, %convert_element_type3A_312, %dot_general3A_313 {dimension_numbers = #tpu.dot_dimension_numbers<[1], [0], [0], [1], [0, 0, 1, 1], [], []>, transpose_lhs_hint = false} : vector<16x8xbf16>, vector<8x32xbf16>, vector<16x32xf32> -> vector<16x32xf32>
    %get3A_315 = arith.constant 0 : index
    %get3A_316 = arith.constant 0 : index
    %get3A_317 = vector.load %arg21[%get3A_315, %get3A_316] : memref<1x32xf32, #tpu.memory_space<vmem>>, vector<1x32xf32>
    %add3A_318 = vector.broadcast %get3A_317 : vector<1x32xf32> to vector<16x32xf32>
    %add3A_319 = arith.addf %dot_general3A_314, %add3A_318 : vector<16x32xf32>
    %slice3A = vector.extract_strided_slice %add3A_295 {offsets = [0, 0], sizes = [16, 8], strides = [1, 1]} : vector<16x32xf32> to vector<16x8xf32>
    %convert_element_type3A_320 = arith.truncf %slice3A : vector<16x8xf32> to vector<16x8xbf16>
    %convert_element_type3A_321 = arith.extf %convert_element_type3A_320 : vector<16x8xbf16> to vector<16x8xf32>
    %slice3A_322 = vector.extract_strided_slice %add3A_307 {offsets = [0, 0], sizes = [16, 8], strides = [1, 1]} : vector<16x32xf32> to vector<16x8xf32>
    %convert_element_type3A_323 = arith.truncf %slice3A_322 : vector<16x8xf32> to vector<16x8xbf16>
    %convert_element_type3A_324 = arith.extf %convert_element_type3A_323 : vector<16x8xbf16> to vector<16x8xf32>
    %mul3A_325 = arith.mulf %convert_element_type3A_321, %convert_element_type3A_324 : vector<16x8xf32>
    %reduce_sum3A_326 = arith.constant dense<0.000000e+00> : vector<16xf32>
    %reduce_sum3A_327 = vector.multi_reduction <add>, %mul3A_325, %reduce_sum3A_326 [1] : vector<16x8xf32> to vector<16xf32>
    %broadcast_in_dim3A_328 = vector.shape_cast %reduce_sum3A_327 : vector<16xf32> to vector<16x1xf32>
    %mul3A_329 = arith.constant 0.353553385 : f32
    %mul3A_330 = vector.broadcast %mul3A_329 : f32 to vector<16x1xf32>
    %mul3A_331 = arith.mulf %broadcast_in_dim3A_328, %mul3A_330 : vector<16x1xf32>
    %slice3A_332 = vector.extract_strided_slice %get3A_283 {offsets = [0, 0], sizes = [16, 1], strides = [1, 1]} : vector<16x16xf32> to vector<16x1xf32>
    %add3A_333 = arith.addf %mul3A_331, %slice3A_332 : vector<16x1xf32>
    %slice3A_334 = vector.extract_strided_slice %add3A_307 {offsets = [0, 8], sizes = [16, 8], strides = [1, 1]} : vector<16x32xf32> to vector<16x8xf32>
    %convert_element_type3A_335 = arith.truncf %slice3A_334 : vector<16x8xf32> to vector<16x8xbf16>
    %convert_element_type3A_336 = arith.extf %convert_element_type3A_335 : vector<16x8xbf16> to vector<16x8xf32>
    %mul3A_337 = arith.mulf %convert_element_type3A_321, %convert_element_type3A_336 : vector<16x8xf32>
    %reduce_sum3A_338 = arith.constant dense<0.000000e+00> : vector<16xf32>
    %reduce_sum3A_339 = vector.multi_reduction <add>, %mul3A_337, %reduce_sum3A_338 [1] : vector<16x8xf32> to vector<16xf32>
    %broadcast_in_dim3A_340 = vector.shape_cast %reduce_sum3A_339 : vector<16xf32> to vector<16x1xf32>
    %mul3A_341 = arith.constant 0.353553385 : f32
    %mul3A_342 = vector.broadcast %mul3A_341 : f32 to vector<16x1xf32>
    %mul3A_343 = arith.mulf %broadcast_in_dim3A_340, %mul3A_342 : vector<16x1xf32>
    %slice3A_344 = vector.extract_strided_slice %get3A_283 {offsets = [0, 1], sizes = [16, 1], strides = [1, 1]} : vector<16x16xf32> to vector<16x1xf32>
    %add3A_345 = arith.addf %mul3A_343, %slice3A_344 : vector<16x1xf32>
    %slice3A_346 = vector.extract_strided_slice %add3A_307 {offsets = [0, 16], sizes = [16, 8], strides = [1, 1]} : vector<16x32xf32> to vector<16x8xf32>
    %convert_element_type3A_347 = arith.truncf %slice3A_346 : vector<16x8xf32> to vector<16x8xbf16>
    %convert_element_type3A_348 = arith.extf %convert_element_type3A_347 : vector<16x8xbf16> to vector<16x8xf32>
    %mul3A_349 = arith.mulf %convert_element_type3A_321, %convert_element_type3A_348 : vector<16x8xf32>
    %reduce_sum3A_350 = arith.constant dense<0.000000e+00> : vector<16xf32>
    %reduce_sum3A_351 = vector.multi_reduction <add>, %mul3A_349, %reduce_sum3A_350 [1] : vector<16x8xf32> to vector<16xf32>
    %broadcast_in_dim3A_352 = vector.shape_cast %reduce_sum3A_351 : vector<16xf32> to vector<16x1xf32>
    %mul3A_353 = arith.constant 0.353553385 : f32
    %mul3A_354 = vector.broadcast %mul3A_353 : f32 to vector<16x1xf32>
    %mul3A_355 = arith.mulf %broadcast_in_dim3A_352, %mul3A_354 : vector<16x1xf32>
    %slice3A_356 = vector.extract_strided_slice %get3A_283 {offsets = [0, 2], sizes = [16, 1], strides = [1, 1]} : vector<16x16xf32> to vector<16x1xf32>
    %add3A_357 = arith.addf %mul3A_355, %slice3A_356 : vector<16x1xf32>
    %slice3A_358 = vector.extract_strided_slice %add3A_307 {offsets = [0, 24], sizes = [16, 8], strides = [1, 1]} : vector<16x32xf32> to vector<16x8xf32>
    %convert_element_type3A_359 = arith.truncf %slice3A_358 : vector<16x8xf32> to vector<16x8xbf16>
    %convert_element_type3A_360 = arith.extf %convert_element_type3A_359 : vector<16x8xbf16> to vector<16x8xf32>
    %mul3A_361 = arith.mulf %convert_element_type3A_321, %convert_element_type3A_360 : vector<16x8xf32>
    %reduce_sum3A_362 = arith.constant dense<0.000000e+00> : vector<16xf32>
    %reduce_sum3A_363 = vector.multi_reduction <add>, %mul3A_361, %reduce_sum3A_362 [1] : vector<16x8xf32> to vector<16xf32>
    %broadcast_in_dim3A_364 = vector.shape_cast %reduce_sum3A_363 : vector<16xf32> to vector<16x1xf32>
    %mul3A_365 = arith.constant 0.353553385 : f32
    %mul3A_366 = vector.broadcast %mul3A_365 : f32 to vector<16x1xf32>
    %mul3A_367 = arith.mulf %broadcast_in_dim3A_364, %mul3A_366 : vector<16x1xf32>
    %slice3A_368 = vector.extract_strided_slice %get3A_283 {offsets = [0, 3], sizes = [16, 1], strides = [1, 1]} : vector<16x16xf32> to vector<16x1xf32>
    %add3A_369 = arith.addf %mul3A_367, %slice3A_368 : vector<16x1xf32>
    %max3A_370 = arith.maximumf %add3A_333, %add3A_345 : vector<16x1xf32>
    %max3A_371 = arith.maximumf %add3A_357, %add3A_369 : vector<16x1xf32>
    %max3A_372 = arith.maximumf %max3A_370, %max3A_371 : vector<16x1xf32>
    %sub3A_373 = arith.subf %add3A_333, %max3A_372 : vector<16x1xf32>
    %exp3A = math.exp %sub3A_373 : vector<16x1xf32>
    %sub3A_374 = arith.subf %add3A_345, %max3A_372 : vector<16x1xf32>
    %exp3A_375 = math.exp %sub3A_374 : vector<16x1xf32>
    %sub3A_376 = arith.subf %add3A_357, %max3A_372 : vector<16x1xf32>
    %exp3A_377 = math.exp %sub3A_376 : vector<16x1xf32>
    %sub3A_378 = arith.subf %add3A_369, %max3A_372 : vector<16x1xf32>
    %exp3A_379 = math.exp %sub3A_378 : vector<16x1xf32>
    %add3A_380 = arith.addf %exp3A, %exp3A_375 : vector<16x1xf32>
    %add3A_381 = arith.addf %add3A_380, %exp3A_377 : vector<16x1xf32>
    %add3A_382 = arith.addf %add3A_381, %exp3A_379 : vector<16x1xf32>
    %broadcast_in_dim3A_383 = arith.constant 0.000000e+00 : f32
    %broadcast_in_dim3A_384 = vector.broadcast %broadcast_in_dim3A_383 : f32 to vector<16x8xf32>
    %slice3A_385 = vector.extract_strided_slice %add3A_319 {offsets = [0, 0], sizes = [16, 8], strides = [1, 1]} : vector<16x32xf32> to vector<16x8xf32>
    %convert_element_type3A_386 = arith.truncf %slice3A_385 : vector<16x8xf32> to vector<16x8xbf16>
    %convert_element_type3A_387 = arith.extf %convert_element_type3A_386 : vector<16x8xbf16> to vector<16x8xf32>
    %div3A_388 = arith.divf %exp3A, %add3A_382 : vector<16x1xf32>
    %mul3A_389 = arith.constant 2.82842708 : f32
    %mul3A_390 = vector.broadcast %mul3A_389 : f32 to vector<16x1xf32>
    %mul3A_391 = arith.mulf %div3A_388, %mul3A_390 : vector<16x1xf32>
    %convert_element_type3A_392 = arith.truncf %mul3A_391 : vector<16x1xf32> to vector<16x1xbf16>
    %convert_element_type3A_393 = arith.extf %convert_element_type3A_392 : vector<16x1xbf16> to vector<16x1xf32>
    %mul3A_394 = vector.broadcast %convert_element_type3A_393 : vector<16x1xf32> to vector<16x8xf32>
    %mul3A_395 = arith.mulf %mul3A_394, %convert_element_type3A_387 : vector<16x8xf32>
    %add3A_396 = arith.addf %broadcast_in_dim3A_384, %mul3A_395 : vector<16x8xf32>
    %slice3A_397 = vector.extract_strided_slice %add3A_319 {offsets = [0, 8], sizes = [16, 8], strides = [1, 1]} : vector<16x32xf32> to vector<16x8xf32>
    %convert_element_type3A_398 = arith.truncf %slice3A_397 : vector<16x8xf32> to vector<16x8xbf16>
    %convert_element_type3A_399 = arith.extf %convert_element_type3A_398 : vector<16x8xbf16> to vector<16x8xf32>
    %div3A_400 = arith.divf %exp3A_375, %add3A_382 : vector<16x1xf32>
    %mul3A_401 = arith.constant 2.82842708 : f32
    %mul3A_402 = vector.broadcast %mul3A_401 : f32 to vector<16x1xf32>
    %mul3A_403 = arith.mulf %div3A_400, %mul3A_402 : vector<16x1xf32>
    %convert_element_type3A_404 = arith.truncf %mul3A_403 : vector<16x1xf32> to vector<16x1xbf16>
    %convert_element_type3A_405 = arith.extf %convert_element_type3A_404 : vector<16x1xbf16> to vector<16x1xf32>
    %mul3A_406 = vector.broadcast %convert_element_type3A_405 : vector<16x1xf32> to vector<16x8xf32>
    %mul3A_407 = arith.mulf %mul3A_406, %convert_element_type3A_399 : vector<16x8xf32>
    %add3A_408 = arith.addf %add3A_396, %mul3A_407 : vector<16x8xf32>
    %slice3A_409 = vector.extract_strided_slice %add3A_319 {offsets = [0, 16], sizes = [16, 8], strides = [1, 1]} : vector<16x32xf32> to vector<16x8xf32>
    %convert_element_type3A_410 = arith.truncf %slice3A_409 : vector<16x8xf32> to vector<16x8xbf16>
    %convert_element_type3A_411 = arith.extf %convert_element_type3A_410 : vector<16x8xbf16> to vector<16x8xf32>
    %div3A_412 = arith.divf %exp3A_377, %add3A_382 : vector<16x1xf32>
    %mul3A_413 = arith.constant 2.82842708 : f32
    %mul3A_414 = vector.broadcast %mul3A_413 : f32 to vector<16x1xf32>
    %mul3A_415 = arith.mulf %div3A_412, %mul3A_414 : vector<16x1xf32>
    %convert_element_type3A_416 = arith.truncf %mul3A_415 : vector<16x1xf32> to vector<16x1xbf16>
    %convert_element_type3A_417 = arith.extf %convert_element_type3A_416 : vector<16x1xbf16> to vector<16x1xf32>
    %mul3A_418 = vector.broadcast %convert_element_type3A_417 : vector<16x1xf32> to vector<16x8xf32>
    %mul3A_419 = arith.mulf %mul3A_418, %convert_element_type3A_411 : vector<16x8xf32>
    %add3A_420 = arith.addf %add3A_408, %mul3A_419 : vector<16x8xf32>
    %slice3A_421 = vector.extract_strided_slice %add3A_319 {offsets = [0, 24], sizes = [16, 8], strides = [1, 1]} : vector<16x32xf32> to vector<16x8xf32>
    %convert_element_type3A_422 = arith.truncf %slice3A_421 : vector<16x8xf32> to vector<16x8xbf16>
    %convert_element_type3A_423 = arith.extf %convert_element_type3A_422 : vector<16x8xbf16> to vector<16x8xf32>
    %div3A_424 = arith.divf %exp3A_379, %add3A_382 : vector<16x1xf32>
    %mul3A_425 = arith.constant 2.82842708 : f32
    %mul3A_426 = vector.broadcast %mul3A_425 : f32 to vector<16x1xf32>
    %mul3A_427 = arith.mulf %div3A_424, %mul3A_426 : vector<16x1xf32>
    %convert_element_type3A_428 = arith.truncf %mul3A_427 : vector<16x1xf32> to vector<16x1xbf16>
    %convert_element_type3A_429 = arith.extf %convert_element_type3A_428 : vector<16x1xbf16> to vector<16x1xf32>
    %mul3A_430 = vector.broadcast %convert_element_type3A_429 : vector<16x1xf32> to vector<16x8xf32>
    %mul3A_431 = arith.mulf %mul3A_430, %convert_element_type3A_423 : vector<16x8xf32>
    %add3A_432 = arith.addf %add3A_420, %mul3A_431 : vector<16x8xf32>
    %slice3A_433 = vector.extract_strided_slice %add3A_295 {offsets = [0, 8], sizes = [16, 8], strides = [1, 1]} : vector<16x32xf32> to vector<16x8xf32>
    %convert_element_type3A_434 = arith.truncf %slice3A_433 : vector<16x8xf32> to vector<16x8xbf16>
    %convert_element_type3A_435 = arith.extf %convert_element_type3A_434 : vector<16x8xbf16> to vector<16x8xf32>
    %slice3A_436 = vector.extract_strided_slice %add3A_307 {offsets = [0, 0], sizes = [16, 8], strides = [1, 1]} : vector<16x32xf32> to vector<16x8xf32>
    %convert_element_type3A_437 = arith.truncf %slice3A_436 : vector<16x8xf32> to vector<16x8xbf16>
    %convert_element_type3A_438 = arith.extf %convert_element_type3A_437 : vector<16x8xbf16> to vector<16x8xf32>
    %mul3A_439 = arith.mulf %convert_element_type3A_435, %convert_element_type3A_438 : vector<16x8xf32>
    %reduce_sum3A_440 = arith.constant dense<0.000000e+00> : vector<16xf32>
    %reduce_sum3A_441 = vector.multi_reduction <add>, %mul3A_439, %reduce_sum3A_440 [1] : vector<16x8xf32> to vector<16xf32>
    %broadcast_in_dim3A_442 = vector.shape_cast %reduce_sum3A_441 : vector<16xf32> to vector<16x1xf32>
    %mul3A_443 = arith.constant 0.353553385 : f32
    %mul3A_444 = vector.broadcast %mul3A_443 : f32 to vector<16x1xf32>
    %mul3A_445 = arith.mulf %broadcast_in_dim3A_442, %mul3A_444 : vector<16x1xf32>
    %slice3A_446 = vector.extract_strided_slice %get3A_283 {offsets = [0, 4], sizes = [16, 1], strides = [1, 1]} : vector<16x16xf32> to vector<16x1xf32>
    %add3A_447 = arith.addf %mul3A_445, %slice3A_446 : vector<16x1xf32>
    %slice3A_448 = vector.extract_strided_slice %add3A_307 {offsets = [0, 8], sizes = [16, 8], strides = [1, 1]} : vector<16x32xf32> to vector<16x8xf32>
    %convert_element_type3A_449 = arith.truncf %slice3A_448 : vector<16x8xf32> to vector<16x8xbf16>
    %convert_element_type3A_450 = arith.extf %convert_element_type3A_449 : vector<16x8xbf16> to vector<16x8xf32>
    %mul3A_451 = arith.mulf %convert_element_type3A_435, %convert_element_type3A_450 : vector<16x8xf32>
    %reduce_sum3A_452 = arith.constant dense<0.000000e+00> : vector<16xf32>
    %reduce_sum3A_453 = vector.multi_reduction <add>, %mul3A_451, %reduce_sum3A_452 [1] : vector<16x8xf32> to vector<16xf32>
    %broadcast_in_dim3A_454 = vector.shape_cast %reduce_sum3A_453 : vector<16xf32> to vector<16x1xf32>
    %mul3A_455 = arith.constant 0.353553385 : f32
    %mul3A_456 = vector.broadcast %mul3A_455 : f32 to vector<16x1xf32>
    %mul3A_457 = arith.mulf %broadcast_in_dim3A_454, %mul3A_456 : vector<16x1xf32>
    %slice3A_458 = vector.extract_strided_slice %get3A_283 {offsets = [0, 5], sizes = [16, 1], strides = [1, 1]} : vector<16x16xf32> to vector<16x1xf32>
    %add3A_459 = arith.addf %mul3A_457, %slice3A_458 : vector<16x1xf32>
    %slice3A_460 = vector.extract_strided_slice %add3A_307 {offsets = [0, 16], sizes = [16, 8], strides = [1, 1]} : vector<16x32xf32> to vector<16x8xf32>
    %convert_element_type3A_461 = arith.truncf %slice3A_460 : vector<16x8xf32> to vector<16x8xbf16>
    %convert_element_type3A_462 = arith.extf %convert_element_type3A_461 : vector<16x8xbf16> to vector<16x8xf32>
    %mul3A_463 = arith.mulf %convert_element_type3A_435, %convert_element_type3A_462 : vector<16x8xf32>
    %reduce_sum3A_464 = arith.constant dense<0.000000e+00> : vector<16xf32>
    %reduce_sum3A_465 = vector.multi_reduction <add>, %mul3A_463, %reduce_sum3A_464 [1] : vector<16x8xf32> to vector<16xf32>
    %broadcast_in_dim3A_466 = vector.shape_cast %reduce_sum3A_465 : vector<16xf32> to vector<16x1xf32>
    %mul3A_467 = arith.constant 0.353553385 : f32
    %mul3A_468 = vector.broadcast %mul3A_467 : f32 to vector<16x1xf32>
    %mul3A_469 = arith.mulf %broadcast_in_dim3A_466, %mul3A_468 : vector<16x1xf32>
    %slice3A_470 = vector.extract_strided_slice %get3A_283 {offsets = [0, 6], sizes = [16, 1], strides = [1, 1]} : vector<16x16xf32> to vector<16x1xf32>
    %add3A_471 = arith.addf %mul3A_469, %slice3A_470 : vector<16x1xf32>
    %slice3A_472 = vector.extract_strided_slice %add3A_307 {offsets = [0, 24], sizes = [16, 8], strides = [1, 1]} : vector<16x32xf32> to vector<16x8xf32>
    %convert_element_type3A_473 = arith.truncf %slice3A_472 : vector<16x8xf32> to vector<16x8xbf16>
    %convert_element_type3A_474 = arith.extf %convert_element_type3A_473 : vector<16x8xbf16> to vector<16x8xf32>
    %mul3A_475 = arith.mulf %convert_element_type3A_435, %convert_element_type3A_474 : vector<16x8xf32>
    %reduce_sum3A_476 = arith.constant dense<0.000000e+00> : vector<16xf32>
    %reduce_sum3A_477 = vector.multi_reduction <add>, %mul3A_475, %reduce_sum3A_476 [1] : vector<16x8xf32> to vector<16xf32>
    %broadcast_in_dim3A_478 = vector.shape_cast %reduce_sum3A_477 : vector<16xf32> to vector<16x1xf32>
    %mul3A_479 = arith.constant 0.353553385 : f32
    %mul3A_480 = vector.broadcast %mul3A_479 : f32 to vector<16x1xf32>
    %mul3A_481 = arith.mulf %broadcast_in_dim3A_478, %mul3A_480 : vector<16x1xf32>
    %slice3A_482 = vector.extract_strided_slice %get3A_283 {offsets = [0, 7], sizes = [16, 1], strides = [1, 1]} : vector<16x16xf32> to vector<16x1xf32>
    %add3A_483 = arith.addf %mul3A_481, %slice3A_482 : vector<16x1xf32>
    %max3A_484 = arith.maximumf %add3A_447, %add3A_459 : vector<16x1xf32>
    %max3A_485 = arith.maximumf %add3A_471, %add3A_483 : vector<16x1xf32>
    %max3A_486 = arith.maximumf %max3A_484, %max3A_485 : vector<16x1xf32>
    %sub3A_487 = arith.subf %add3A_447, %max3A_486 : vector<16x1xf32>
    %exp3A_488 = math.exp %sub3A_487 : vector<16x1xf32>
    %sub3A_489 = arith.subf %add3A_459, %max3A_486 : vector<16x1xf32>
    %exp3A_490 = math.exp %sub3A_489 : vector<16x1xf32>
    %sub3A_491 = arith.subf %add3A_471, %max3A_486 : vector<16x1xf32>
    %exp3A_492 = math.exp %sub3A_491 : vector<16x1xf32>
    %sub3A_493 = arith.subf %add3A_483, %max3A_486 : vector<16x1xf32>
    %exp3A_494 = math.exp %sub3A_493 : vector<16x1xf32>
    %add3A_495 = arith.addf %exp3A_488, %exp3A_490 : vector<16x1xf32>
    %add3A_496 = arith.addf %add3A_495, %exp3A_492 : vector<16x1xf32>
    %add3A_497 = arith.addf %add3A_496, %exp3A_494 : vector<16x1xf32>
    %broadcast_in_dim3A_498 = arith.constant 0.000000e+00 : f32
    %broadcast_in_dim3A_499 = vector.broadcast %broadcast_in_dim3A_498 : f32 to vector<16x8xf32>
    %slice3A_500 = vector.extract_strided_slice %add3A_319 {offsets = [0, 0], sizes = [16, 8], strides = [1, 1]} : vector<16x32xf32> to vector<16x8xf32>
    %convert_element_type3A_501 = arith.truncf %slice3A_500 : vector<16x8xf32> to vector<16x8xbf16>
    %convert_element_type3A_502 = arith.extf %convert_element_type3A_501 : vector<16x8xbf16> to vector<16x8xf32>
    %div3A_503 = arith.divf %exp3A_488, %add3A_497 : vector<16x1xf32>
    %mul3A_504 = arith.constant 2.82842708 : f32
    %mul3A_505 = vector.broadcast %mul3A_504 : f32 to vector<16x1xf32>
    %mul3A_506 = arith.mulf %div3A_503, %mul3A_505 : vector<16x1xf32>
    %convert_element_type3A_507 = arith.truncf %mul3A_506 : vector<16x1xf32> to vector<16x1xbf16>
    %convert_element_type3A_508 = arith.extf %convert_element_type3A_507 : vector<16x1xbf16> to vector<16x1xf32>
    %mul3A_509 = vector.broadcast %convert_element_type3A_508 : vector<16x1xf32> to vector<16x8xf32>
    %mul3A_510 = arith.mulf %mul3A_509, %convert_element_type3A_502 : vector<16x8xf32>
    %add3A_511 = arith.addf %broadcast_in_dim3A_499, %mul3A_510 : vector<16x8xf32>
    %slice3A_512 = vector.extract_strided_slice %add3A_319 {offsets = [0, 8], sizes = [16, 8], strides = [1, 1]} : vector<16x32xf32> to vector<16x8xf32>
    %convert_element_type3A_513 = arith.truncf %slice3A_512 : vector<16x8xf32> to vector<16x8xbf16>
    %convert_element_type3A_514 = arith.extf %convert_element_type3A_513 : vector<16x8xbf16> to vector<16x8xf32>
    %div3A_515 = arith.divf %exp3A_490, %add3A_497 : vector<16x1xf32>
    %mul3A_516 = arith.constant 2.82842708 : f32
    %mul3A_517 = vector.broadcast %mul3A_516 : f32 to vector<16x1xf32>
    %mul3A_518 = arith.mulf %div3A_515, %mul3A_517 : vector<16x1xf32>
    %convert_element_type3A_519 = arith.truncf %mul3A_518 : vector<16x1xf32> to vector<16x1xbf16>
    %convert_element_type3A_520 = arith.extf %convert_element_type3A_519 : vector<16x1xbf16> to vector<16x1xf32>
    %mul3A_521 = vector.broadcast %convert_element_type3A_520 : vector<16x1xf32> to vector<16x8xf32>
    %mul3A_522 = arith.mulf %mul3A_521, %convert_element_type3A_514 : vector<16x8xf32>
    %add3A_523 = arith.addf %add3A_511, %mul3A_522 : vector<16x8xf32>
    %slice3A_524 = vector.extract_strided_slice %add3A_319 {offsets = [0, 16], sizes = [16, 8], strides = [1, 1]} : vector<16x32xf32> to vector<16x8xf32>
    %convert_element_type3A_525 = arith.truncf %slice3A_524 : vector<16x8xf32> to vector<16x8xbf16>
    %convert_element_type3A_526 = arith.extf %convert_element_type3A_525 : vector<16x8xbf16> to vector<16x8xf32>
    %div3A_527 = arith.divf %exp3A_492, %add3A_497 : vector<16x1xf32>
    %mul3A_528 = arith.constant 2.82842708 : f32
    %mul3A_529 = vector.broadcast %mul3A_528 : f32 to vector<16x1xf32>
    %mul3A_530 = arith.mulf %div3A_527, %mul3A_529 : vector<16x1xf32>
    %convert_element_type3A_531 = arith.truncf %mul3A_530 : vector<16x1xf32> to vector<16x1xbf16>
    %convert_element_type3A_532 = arith.extf %convert_element_type3A_531 : vector<16x1xbf16> to vector<16x1xf32>
    %mul3A_533 = vector.broadcast %convert_element_type3A_532 : vector<16x1xf32> to vector<16x8xf32>
    %mul3A_534 = arith.mulf %mul3A_533, %convert_element_type3A_526 : vector<16x8xf32>
    %add3A_535 = arith.addf %add3A_523, %mul3A_534 : vector<16x8xf32>
    %slice3A_536 = vector.extract_strided_slice %add3A_319 {offsets = [0, 24], sizes = [16, 8], strides = [1, 1]} : vector<16x32xf32> to vector<16x8xf32>
    %convert_element_type3A_537 = arith.truncf %slice3A_536 : vector<16x8xf32> to vector<16x8xbf16>
    %convert_element_type3A_538 = arith.extf %convert_element_type3A_537 : vector<16x8xbf16> to vector<16x8xf32>
    %div3A_539 = arith.divf %exp3A_494, %add3A_497 : vector<16x1xf32>
    %mul3A_540 = arith.constant 2.82842708 : f32
    %mul3A_541 = vector.broadcast %mul3A_540 : f32 to vector<16x1xf32>
    %mul3A_542 = arith.mulf %div3A_539, %mul3A_541 : vector<16x1xf32>
    %convert_element_type3A_543 = arith.truncf %mul3A_542 : vector<16x1xf32> to vector<16x1xbf16>
    %convert_element_type3A_544 = arith.extf %convert_element_type3A_543 : vector<16x1xbf16> to vector<16x1xf32>
    %mul3A_545 = vector.broadcast %convert_element_type3A_544 : vector<16x1xf32> to vector<16x8xf32>
    %mul3A_546 = arith.mulf %mul3A_545, %convert_element_type3A_538 : vector<16x8xf32>
    %add3A_547 = arith.addf %add3A_535, %mul3A_546 : vector<16x8xf32>
    %slice3A_548 = vector.extract_strided_slice %add3A_295 {offsets = [0, 16], sizes = [16, 8], strides = [1, 1]} : vector<16x32xf32> to vector<16x8xf32>
    %convert_element_type3A_549 = arith.truncf %slice3A_548 : vector<16x8xf32> to vector<16x8xbf16>
    %convert_element_type3A_550 = arith.extf %convert_element_type3A_549 : vector<16x8xbf16> to vector<16x8xf32>
    %slice3A_551 = vector.extract_strided_slice %add3A_307 {offsets = [0, 0], sizes = [16, 8], strides = [1, 1]} : vector<16x32xf32> to vector<16x8xf32>
    %convert_element_type3A_552 = arith.truncf %slice3A_551 : vector<16x8xf32> to vector<16x8xbf16>
    %convert_element_type3A_553 = arith.extf %convert_element_type3A_552 : vector<16x8xbf16> to vector<16x8xf32>
    %mul3A_554 = arith.mulf %convert_element_type3A_550, %convert_element_type3A_553 : vector<16x8xf32>
    %reduce_sum3A_555 = arith.constant dense<0.000000e+00> : vector<16xf32>
    %reduce_sum3A_556 = vector.multi_reduction <add>, %mul3A_554, %reduce_sum3A_555 [1] : vector<16x8xf32> to vector<16xf32>
    %broadcast_in_dim3A_557 = vector.shape_cast %reduce_sum3A_556 : vector<16xf32> to vector<16x1xf32>
    %mul3A_558 = arith.constant 0.353553385 : f32
    %mul3A_559 = vector.broadcast %mul3A_558 : f32 to vector<16x1xf32>
    %mul3A_560 = arith.mulf %broadcast_in_dim3A_557, %mul3A_559 : vector<16x1xf32>
    %slice3A_561 = vector.extract_strided_slice %get3A_283 {offsets = [0, 8], sizes = [16, 1], strides = [1, 1]} : vector<16x16xf32> to vector<16x1xf32>
    %add3A_562 = arith.addf %mul3A_560, %slice3A_561 : vector<16x1xf32>
    %slice3A_563 = vector.extract_strided_slice %add3A_307 {offsets = [0, 8], sizes = [16, 8], strides = [1, 1]} : vector<16x32xf32> to vector<16x8xf32>
    %convert_element_type3A_564 = arith.truncf %slice3A_563 : vector<16x8xf32> to vector<16x8xbf16>
    %convert_element_type3A_565 = arith.extf %convert_element_type3A_564 : vector<16x8xbf16> to vector<16x8xf32>
    %mul3A_566 = arith.mulf %convert_element_type3A_550, %convert_element_type3A_565 : vector<16x8xf32>
    %reduce_sum3A_567 = arith.constant dense<0.000000e+00> : vector<16xf32>
    %reduce_sum3A_568 = vector.multi_reduction <add>, %mul3A_566, %reduce_sum3A_567 [1] : vector<16x8xf32> to vector<16xf32>
    %broadcast_in_dim3A_569 = vector.shape_cast %reduce_sum3A_568 : vector<16xf32> to vector<16x1xf32>
    %mul3A_570 = arith.constant 0.353553385 : f32
    %mul3A_571 = vector.broadcast %mul3A_570 : f32 to vector<16x1xf32>
    %mul3A_572 = arith.mulf %broadcast_in_dim3A_569, %mul3A_571 : vector<16x1xf32>
    %slice3A_573 = vector.extract_strided_slice %get3A_283 {offsets = [0, 9], sizes = [16, 1], strides = [1, 1]} : vector<16x16xf32> to vector<16x1xf32>
    %add3A_574 = arith.addf %mul3A_572, %slice3A_573 : vector<16x1xf32>
    %slice3A_575 = vector.extract_strided_slice %add3A_307 {offsets = [0, 16], sizes = [16, 8], strides = [1, 1]} : vector<16x32xf32> to vector<16x8xf32>
    %convert_element_type3A_576 = arith.truncf %slice3A_575 : vector<16x8xf32> to vector<16x8xbf16>
    %convert_element_type3A_577 = arith.extf %convert_element_type3A_576 : vector<16x8xbf16> to vector<16x8xf32>
    %mul3A_578 = arith.mulf %convert_element_type3A_550, %convert_element_type3A_577 : vector<16x8xf32>
    %reduce_sum3A_579 = arith.constant dense<0.000000e+00> : vector<16xf32>
    %reduce_sum3A_580 = vector.multi_reduction <add>, %mul3A_578, %reduce_sum3A_579 [1] : vector<16x8xf32> to vector<16xf32>
    %broadcast_in_dim3A_581 = vector.shape_cast %reduce_sum3A_580 : vector<16xf32> to vector<16x1xf32>
    %mul3A_582 = arith.constant 0.353553385 : f32
    %mul3A_583 = vector.broadcast %mul3A_582 : f32 to vector<16x1xf32>
    %mul3A_584 = arith.mulf %broadcast_in_dim3A_581, %mul3A_583 : vector<16x1xf32>
    %slice3A_585 = vector.extract_strided_slice %get3A_283 {offsets = [0, 10], sizes = [16, 1], strides = [1, 1]} : vector<16x16xf32> to vector<16x1xf32>
    %add3A_586 = arith.addf %mul3A_584, %slice3A_585 : vector<16x1xf32>
    %slice3A_587 = vector.extract_strided_slice %add3A_307 {offsets = [0, 24], sizes = [16, 8], strides = [1, 1]} : vector<16x32xf32> to vector<16x8xf32>
    %convert_element_type3A_588 = arith.truncf %slice3A_587 : vector<16x8xf32> to vector<16x8xbf16>
    %convert_element_type3A_589 = arith.extf %convert_element_type3A_588 : vector<16x8xbf16> to vector<16x8xf32>
    %mul3A_590 = arith.mulf %convert_element_type3A_550, %convert_element_type3A_589 : vector<16x8xf32>
    %reduce_sum3A_591 = arith.constant dense<0.000000e+00> : vector<16xf32>
    %reduce_sum3A_592 = vector.multi_reduction <add>, %mul3A_590, %reduce_sum3A_591 [1] : vector<16x8xf32> to vector<16xf32>
    %broadcast_in_dim3A_593 = vector.shape_cast %reduce_sum3A_592 : vector<16xf32> to vector<16x1xf32>
    %mul3A_594 = arith.constant 0.353553385 : f32
    %mul3A_595 = vector.broadcast %mul3A_594 : f32 to vector<16x1xf32>
    %mul3A_596 = arith.mulf %broadcast_in_dim3A_593, %mul3A_595 : vector<16x1xf32>
    %slice3A_597 = vector.extract_strided_slice %get3A_283 {offsets = [0, 11], sizes = [16, 1], strides = [1, 1]} : vector<16x16xf32> to vector<16x1xf32>
    %add3A_598 = arith.addf %mul3A_596, %slice3A_597 : vector<16x1xf32>
    %max3A_599 = arith.maximumf %add3A_562, %add3A_574 : vector<16x1xf32>
    %max3A_600 = arith.maximumf %add3A_586, %add3A_598 : vector<16x1xf32>
    %max3A_601 = arith.maximumf %max3A_599, %max3A_600 : vector<16x1xf32>
    %sub3A_602 = arith.subf %add3A_562, %max3A_601 : vector<16x1xf32>
    %exp3A_603 = math.exp %sub3A_602 : vector<16x1xf32>
    %sub3A_604 = arith.subf %add3A_574, %max3A_601 : vector<16x1xf32>
    %exp3A_605 = math.exp %sub3A_604 : vector<16x1xf32>
    %sub3A_606 = arith.subf %add3A_586, %max3A_601 : vector<16x1xf32>
    %exp3A_607 = math.exp %sub3A_606 : vector<16x1xf32>
    %sub3A_608 = arith.subf %add3A_598, %max3A_601 : vector<16x1xf32>
    %exp3A_609 = math.exp %sub3A_608 : vector<16x1xf32>
    %add3A_610 = arith.addf %exp3A_603, %exp3A_605 : vector<16x1xf32>
    %add3A_611 = arith.addf %add3A_610, %exp3A_607 : vector<16x1xf32>
    %add3A_612 = arith.addf %add3A_611, %exp3A_609 : vector<16x1xf32>
    %broadcast_in_dim3A_613 = arith.constant 0.000000e+00 : f32
    %broadcast_in_dim3A_614 = vector.broadcast %broadcast_in_dim3A_613 : f32 to vector<16x8xf32>
    %slice3A_615 = vector.extract_strided_slice %add3A_319 {offsets = [0, 0], sizes = [16, 8], strides = [1, 1]} : vector<16x32xf32> to vector<16x8xf32>
    %convert_element_type3A_616 = arith.truncf %slice3A_615 : vector<16x8xf32> to vector<16x8xbf16>
    %convert_element_type3A_617 = arith.extf %convert_element_type3A_616 : vector<16x8xbf16> to vector<16x8xf32>
    %div3A_618 = arith.divf %exp3A_603, %add3A_612 : vector<16x1xf32>
    %mul3A_619 = arith.constant 2.82842708 : f32
    %mul3A_620 = vector.broadcast %mul3A_619 : f32 to vector<16x1xf32>
    %mul3A_621 = arith.mulf %div3A_618, %mul3A_620 : vector<16x1xf32>
    %convert_element_type3A_622 = arith.truncf %mul3A_621 : vector<16x1xf32> to vector<16x1xbf16>
    %convert_element_type3A_623 = arith.extf %convert_element_type3A_622 : vector<16x1xbf16> to vector<16x1xf32>
    %mul3A_624 = vector.broadcast %convert_element_type3A_623 : vector<16x1xf32> to vector<16x8xf32>
    %mul3A_625 = arith.mulf %mul3A_624, %convert_element_type3A_617 : vector<16x8xf32>
    %add3A_626 = arith.addf %broadcast_in_dim3A_614, %mul3A_625 : vector<16x8xf32>
    %slice3A_627 = vector.extract_strided_slice %add3A_319 {offsets = [0, 8], sizes = [16, 8], strides = [1, 1]} : vector<16x32xf32> to vector<16x8xf32>
    %convert_element_type3A_628 = arith.truncf %slice3A_627 : vector<16x8xf32> to vector<16x8xbf16>
    %convert_element_type3A_629 = arith.extf %convert_element_type3A_628 : vector<16x8xbf16> to vector<16x8xf32>
    %div3A_630 = arith.divf %exp3A_605, %add3A_612 : vector<16x1xf32>
    %mul3A_631 = arith.constant 2.82842708 : f32
    %mul3A_632 = vector.broadcast %mul3A_631 : f32 to vector<16x1xf32>
    %mul3A_633 = arith.mulf %div3A_630, %mul3A_632 : vector<16x1xf32>
    %convert_element_type3A_634 = arith.truncf %mul3A_633 : vector<16x1xf32> to vector<16x1xbf16>
    %convert_element_type3A_635 = arith.extf %convert_element_type3A_634 : vector<16x1xbf16> to vector<16x1xf32>
    %mul3A_636 = vector.broadcast %convert_element_type3A_635 : vector<16x1xf32> to vector<16x8xf32>
    %mul3A_637 = arith.mulf %mul3A_636, %convert_element_type3A_629 : vector<16x8xf32>
    %add3A_638 = arith.addf %add3A_626, %mul3A_637 : vector<16x8xf32>
    %slice3A_639 = vector.extract_strided_slice %add3A_319 {offsets = [0, 16], sizes = [16, 8], strides = [1, 1]} : vector<16x32xf32> to vector<16x8xf32>
    %convert_element_type3A_640 = arith.truncf %slice3A_639 : vector<16x8xf32> to vector<16x8xbf16>
    %convert_element_type3A_641 = arith.extf %convert_element_type3A_640 : vector<16x8xbf16> to vector<16x8xf32>
    %div3A_642 = arith.divf %exp3A_607, %add3A_612 : vector<16x1xf32>
    %mul3A_643 = arith.constant 2.82842708 : f32
    %mul3A_644 = vector.broadcast %mul3A_643 : f32 to vector<16x1xf32>
    %mul3A_645 = arith.mulf %div3A_642, %mul3A_644 : vector<16x1xf32>
    %convert_element_type3A_646 = arith.truncf %mul3A_645 : vector<16x1xf32> to vector<16x1xbf16>
    %convert_element_type3A_647 = arith.extf %convert_element_type3A_646 : vector<16x1xbf16> to vector<16x1xf32>
    %mul3A_648 = vector.broadcast %convert_element_type3A_647 : vector<16x1xf32> to vector<16x8xf32>
    %mul3A_649 = arith.mulf %mul3A_648, %convert_element_type3A_641 : vector<16x8xf32>
    %add3A_650 = arith.addf %add3A_638, %mul3A_649 : vector<16x8xf32>
    %slice3A_651 = vector.extract_strided_slice %add3A_319 {offsets = [0, 24], sizes = [16, 8], strides = [1, 1]} : vector<16x32xf32> to vector<16x8xf32>
    %convert_element_type3A_652 = arith.truncf %slice3A_651 : vector<16x8xf32> to vector<16x8xbf16>
    %convert_element_type3A_653 = arith.extf %convert_element_type3A_652 : vector<16x8xbf16> to vector<16x8xf32>
    %div3A_654 = arith.divf %exp3A_609, %add3A_612 : vector<16x1xf32>
    %mul3A_655 = arith.constant 2.82842708 : f32
    %mul3A_656 = vector.broadcast %mul3A_655 : f32 to vector<16x1xf32>
    %mul3A_657 = arith.mulf %div3A_654, %mul3A_656 : vector<16x1xf32>
    %convert_element_type3A_658 = arith.truncf %mul3A_657 : vector<16x1xf32> to vector<16x1xbf16>
    %convert_element_type3A_659 = arith.extf %convert_element_type3A_658 : vector<16x1xbf16> to vector<16x1xf32>
    %mul3A_660 = vector.broadcast %convert_element_type3A_659 : vector<16x1xf32> to vector<16x8xf32>
    %mul3A_661 = arith.mulf %mul3A_660, %convert_element_type3A_653 : vector<16x8xf32>
    %add3A_662 = arith.addf %add3A_650, %mul3A_661 : vector<16x8xf32>
    %slice3A_663 = vector.extract_strided_slice %add3A_295 {offsets = [0, 24], sizes = [16, 8], strides = [1, 1]} : vector<16x32xf32> to vector<16x8xf32>
    %convert_element_type3A_664 = arith.truncf %slice3A_663 : vector<16x8xf32> to vector<16x8xbf16>
    %convert_element_type3A_665 = arith.extf %convert_element_type3A_664 : vector<16x8xbf16> to vector<16x8xf32>
    %slice3A_666 = vector.extract_strided_slice %add3A_307 {offsets = [0, 0], sizes = [16, 8], strides = [1, 1]} : vector<16x32xf32> to vector<16x8xf32>
    %convert_element_type3A_667 = arith.truncf %slice3A_666 : vector<16x8xf32> to vector<16x8xbf16>
    %convert_element_type3A_668 = arith.extf %convert_element_type3A_667 : vector<16x8xbf16> to vector<16x8xf32>
    %mul3A_669 = arith.mulf %convert_element_type3A_665, %convert_element_type3A_668 : vector<16x8xf32>
    %reduce_sum3A_670 = arith.constant dense<0.000000e+00> : vector<16xf32>
    %reduce_sum3A_671 = vector.multi_reduction <add>, %mul3A_669, %reduce_sum3A_670 [1] : vector<16x8xf32> to vector<16xf32>
    %broadcast_in_dim3A_672 = vector.shape_cast %reduce_sum3A_671 : vector<16xf32> to vector<16x1xf32>
    %mul3A_673 = arith.constant 0.353553385 : f32
    %mul3A_674 = vector.broadcast %mul3A_673 : f32 to vector<16x1xf32>
    %mul3A_675 = arith.mulf %broadcast_in_dim3A_672, %mul3A_674 : vector<16x1xf32>
    %slice3A_676 = vector.extract_strided_slice %get3A_283 {offsets = [0, 12], sizes = [16, 1], strides = [1, 1]} : vector<16x16xf32> to vector<16x1xf32>
    %add3A_677 = arith.addf %mul3A_675, %slice3A_676 : vector<16x1xf32>
    %slice3A_678 = vector.extract_strided_slice %add3A_307 {offsets = [0, 8], sizes = [16, 8], strides = [1, 1]} : vector<16x32xf32> to vector<16x8xf32>
    %convert_element_type3A_679 = arith.truncf %slice3A_678 : vector<16x8xf32> to vector<16x8xbf16>
    %convert_element_type3A_680 = arith.extf %convert_element_type3A_679 : vector<16x8xbf16> to vector<16x8xf32>
    %mul3A_681 = arith.mulf %convert_element_type3A_665, %convert_element_type3A_680 : vector<16x8xf32>
    %reduce_sum3A_682 = arith.constant dense<0.000000e+00> : vector<16xf32>
    %reduce_sum3A_683 = vector.multi_reduction <add>, %mul3A_681, %reduce_sum3A_682 [1] : vector<16x8xf32> to vector<16xf32>
    %broadcast_in_dim3A_684 = vector.shape_cast %reduce_sum3A_683 : vector<16xf32> to vector<16x1xf32>
    %mul3A_685 = arith.constant 0.353553385 : f32
    %mul3A_686 = vector.broadcast %mul3A_685 : f32 to vector<16x1xf32>
    %mul3A_687 = arith.mulf %broadcast_in_dim3A_684, %mul3A_686 : vector<16x1xf32>
    %slice3A_688 = vector.extract_strided_slice %get3A_283 {offsets = [0, 13], sizes = [16, 1], strides = [1, 1]} : vector<16x16xf32> to vector<16x1xf32>
    %add3A_689 = arith.addf %mul3A_687, %slice3A_688 : vector<16x1xf32>
    %slice3A_690 = vector.extract_strided_slice %add3A_307 {offsets = [0, 16], sizes = [16, 8], strides = [1, 1]} : vector<16x32xf32> to vector<16x8xf32>
    %convert_element_type3A_691 = arith.truncf %slice3A_690 : vector<16x8xf32> to vector<16x8xbf16>
    %convert_element_type3A_692 = arith.extf %convert_element_type3A_691 : vector<16x8xbf16> to vector<16x8xf32>
    %mul3A_693 = arith.mulf %convert_element_type3A_665, %convert_element_type3A_692 : vector<16x8xf32>
    %reduce_sum3A_694 = arith.constant dense<0.000000e+00> : vector<16xf32>
    %reduce_sum3A_695 = vector.multi_reduction <add>, %mul3A_693, %reduce_sum3A_694 [1] : vector<16x8xf32> to vector<16xf32>
    %broadcast_in_dim3A_696 = vector.shape_cast %reduce_sum3A_695 : vector<16xf32> to vector<16x1xf32>
    %mul3A_697 = arith.constant 0.353553385 : f32
    %mul3A_698 = vector.broadcast %mul3A_697 : f32 to vector<16x1xf32>
    %mul3A_699 = arith.mulf %broadcast_in_dim3A_696, %mul3A_698 : vector<16x1xf32>
    %slice3A_700 = vector.extract_strided_slice %get3A_283 {offsets = [0, 14], sizes = [16, 1], strides = [1, 1]} : vector<16x16xf32> to vector<16x1xf32>
    %add3A_701 = arith.addf %mul3A_699, %slice3A_700 : vector<16x1xf32>
    %slice3A_702 = vector.extract_strided_slice %add3A_307 {offsets = [0, 24], sizes = [16, 8], strides = [1, 1]} : vector<16x32xf32> to vector<16x8xf32>
    %convert_element_type3A_703 = arith.truncf %slice3A_702 : vector<16x8xf32> to vector<16x8xbf16>
    %convert_element_type3A_704 = arith.extf %convert_element_type3A_703 : vector<16x8xbf16> to vector<16x8xf32>
    %mul3A_705 = arith.mulf %convert_element_type3A_665, %convert_element_type3A_704 : vector<16x8xf32>
    %reduce_sum3A_706 = arith.constant dense<0.000000e+00> : vector<16xf32>
    %reduce_sum3A_707 = vector.multi_reduction <add>, %mul3A_705, %reduce_sum3A_706 [1] : vector<16x8xf32> to vector<16xf32>
    %broadcast_in_dim3A_708 = vector.shape_cast %reduce_sum3A_707 : vector<16xf32> to vector<16x1xf32>
    %mul3A_709 = arith.constant 0.353553385 : f32
    %mul3A_710 = vector.broadcast %mul3A_709 : f32 to vector<16x1xf32>
    %mul3A_711 = arith.mulf %broadcast_in_dim3A_708, %mul3A_710 : vector<16x1xf32>
    %slice3A_712 = vector.extract_strided_slice %get3A_283 {offsets = [0, 15], sizes = [16, 1], strides = [1, 1]} : vector<16x16xf32> to vector<16x1xf32>
    %add3A_713 = arith.addf %mul3A_711, %slice3A_712 : vector<16x1xf32>
    %max3A_714 = arith.maximumf %add3A_677, %add3A_689 : vector<16x1xf32>
    %max3A_715 = arith.maximumf %add3A_701, %add3A_713 : vector<16x1xf32>
    %max3A_716 = arith.maximumf %max3A_714, %max3A_715 : vector<16x1xf32>
    %sub3A_717 = arith.subf %add3A_677, %max3A_716 : vector<16x1xf32>
    %exp3A_718 = math.exp %sub3A_717 : vector<16x1xf32>
    %sub3A_719 = arith.subf %add3A_689, %max3A_716 : vector<16x1xf32>
    %exp3A_720 = math.exp %sub3A_719 : vector<16x1xf32>
    %sub3A_721 = arith.subf %add3A_701, %max3A_716 : vector<16x1xf32>
    %exp3A_722 = math.exp %sub3A_721 : vector<16x1xf32>
    %sub3A_723 = arith.subf %add3A_713, %max3A_716 : vector<16x1xf32>
    %exp3A_724 = math.exp %sub3A_723 : vector<16x1xf32>
    %add3A_725 = arith.addf %exp3A_718, %exp3A_720 : vector<16x1xf32>
    %add3A_726 = arith.addf %add3A_725, %exp3A_722 : vector<16x1xf32>
    %add3A_727 = arith.addf %add3A_726, %exp3A_724 : vector<16x1xf32>
    %broadcast_in_dim3A_728 = arith.constant 0.000000e+00 : f32
    %broadcast_in_dim3A_729 = vector.broadcast %broadcast_in_dim3A_728 : f32 to vector<16x8xf32>
    %slice3A_730 = vector.extract_strided_slice %add3A_319 {offsets = [0, 0], sizes = [16, 8], strides = [1, 1]} : vector<16x32xf32> to vector<16x8xf32>
    %convert_element_type3A_731 = arith.truncf %slice3A_730 : vector<16x8xf32> to vector<16x8xbf16>
    %convert_element_type3A_732 = arith.extf %convert_element_type3A_731 : vector<16x8xbf16> to vector<16x8xf32>
    %div3A_733 = arith.divf %exp3A_718, %add3A_727 : vector<16x1xf32>
    %mul3A_734 = arith.constant 2.82842708 : f32
    %mul3A_735 = vector.broadcast %mul3A_734 : f32 to vector<16x1xf32>
    %mul3A_736 = arith.mulf %div3A_733, %mul3A_735 : vector<16x1xf32>
    %convert_element_type3A_737 = arith.truncf %mul3A_736 : vector<16x1xf32> to vector<16x1xbf16>
    %convert_element_type3A_738 = arith.extf %convert_element_type3A_737 : vector<16x1xbf16> to vector<16x1xf32>
    %mul3A_739 = vector.broadcast %convert_element_type3A_738 : vector<16x1xf32> to vector<16x8xf32>
    %mul3A_740 = arith.mulf %mul3A_739, %convert_element_type3A_732 : vector<16x8xf32>
    %add3A_741 = arith.addf %broadcast_in_dim3A_729, %mul3A_740 : vector<16x8xf32>
    %slice3A_742 = vector.extract_strided_slice %add3A_319 {offsets = [0, 8], sizes = [16, 8], strides = [1, 1]} : vector<16x32xf32> to vector<16x8xf32>
    %convert_element_type3A_743 = arith.truncf %slice3A_742 : vector<16x8xf32> to vector<16x8xbf16>
    %convert_element_type3A_744 = arith.extf %convert_element_type3A_743 : vector<16x8xbf16> to vector<16x8xf32>
    %div3A_745 = arith.divf %exp3A_720, %add3A_727 : vector<16x1xf32>
    %mul3A_746 = arith.constant 2.82842708 : f32
    %mul3A_747 = vector.broadcast %mul3A_746 : f32 to vector<16x1xf32>
    %mul3A_748 = arith.mulf %div3A_745, %mul3A_747 : vector<16x1xf32>
    %convert_element_type3A_749 = arith.truncf %mul3A_748 : vector<16x1xf32> to vector<16x1xbf16>
    %convert_element_type3A_750 = arith.extf %convert_element_type3A_749 : vector<16x1xbf16> to vector<16x1xf32>
    %mul3A_751 = vector.broadcast %convert_element_type3A_750 : vector<16x1xf32> to vector<16x8xf32>
    %mul3A_752 = arith.mulf %mul3A_751, %convert_element_type3A_744 : vector<16x8xf32>
    %add3A_753 = arith.addf %add3A_741, %mul3A_752 : vector<16x8xf32>
    %slice3A_754 = vector.extract_strided_slice %add3A_319 {offsets = [0, 16], sizes = [16, 8], strides = [1, 1]} : vector<16x32xf32> to vector<16x8xf32>
    %convert_element_type3A_755 = arith.truncf %slice3A_754 : vector<16x8xf32> to vector<16x8xbf16>
    %convert_element_type3A_756 = arith.extf %convert_element_type3A_755 : vector<16x8xbf16> to vector<16x8xf32>
    %div3A_757 = arith.divf %exp3A_722, %add3A_727 : vector<16x1xf32>
    %mul3A_758 = arith.constant 2.82842708 : f32
    %mul3A_759 = vector.broadcast %mul3A_758 : f32 to vector<16x1xf32>
    %mul3A_760 = arith.mulf %div3A_757, %mul3A_759 : vector<16x1xf32>
    %convert_element_type3A_761 = arith.truncf %mul3A_760 : vector<16x1xf32> to vector<16x1xbf16>
    %convert_element_type3A_762 = arith.extf %convert_element_type3A_761 : vector<16x1xbf16> to vector<16x1xf32>
    %mul3A_763 = vector.broadcast %convert_element_type3A_762 : vector<16x1xf32> to vector<16x8xf32>
    %mul3A_764 = arith.mulf %mul3A_763, %convert_element_type3A_756 : vector<16x8xf32>
    %add3A_765 = arith.addf %add3A_753, %mul3A_764 : vector<16x8xf32>
    %slice3A_766 = vector.extract_strided_slice %add3A_319 {offsets = [0, 24], sizes = [16, 8], strides = [1, 1]} : vector<16x32xf32> to vector<16x8xf32>
    %convert_element_type3A_767 = arith.truncf %slice3A_766 : vector<16x8xf32> to vector<16x8xbf16>
    %convert_element_type3A_768 = arith.extf %convert_element_type3A_767 : vector<16x8xbf16> to vector<16x8xf32>
    %div3A_769 = arith.divf %exp3A_724, %add3A_727 : vector<16x1xf32>
    %mul3A_770 = arith.constant 2.82842708 : f32
    %mul3A_771 = vector.broadcast %mul3A_770 : f32 to vector<16x1xf32>
    %mul3A_772 = arith.mulf %div3A_769, %mul3A_771 : vector<16x1xf32>
    %convert_element_type3A_773 = arith.truncf %mul3A_772 : vector<16x1xf32> to vector<16x1xbf16>
    %convert_element_type3A_774 = arith.extf %convert_element_type3A_773 : vector<16x1xbf16> to vector<16x1xf32>
    %mul3A_775 = vector.broadcast %convert_element_type3A_774 : vector<16x1xf32> to vector<16x8xf32>
    %mul3A_776 = arith.mulf %mul3A_775, %convert_element_type3A_768 : vector<16x8xf32>
    %add3A_777 = arith.addf %add3A_765, %mul3A_776 : vector<16x8xf32>
    %get3A_778 = arith.constant 0 : index
    %get3A_779 = arith.constant 0 : index
    %get3A_780 = vector.load %arg23[%get3A_778, %get3A_779] : memref<1x4xf32, #tpu.memory_space<vmem>>, vector<1x4xf32>
    %get3A_781 = arith.constant 0 : index
    %get3A_782 = arith.constant 0 : index
    %get3A_783 = vector.load %arg22[%get3A_781, %get3A_782] : memref<32x4xf32, #tpu.memory_space<vmem>>, vector<32x4xf32>
    %slice3A_784 = vector.extract_strided_slice %get3A_783 {offsets = [0, 0], sizes = [8, 4], strides = [1, 1]} : vector<32x4xf32> to vector<8x4xf32>
    %convert_element_type3A_785 = arith.truncf %add3A_432 : vector<16x8xf32> to vector<16x8xbf16>
    %convert_element_type3A_786 = arith.truncf %slice3A_784 : vector<8x4xf32> to vector<8x4xbf16>
    %dot_general3A_787 = arith.constant dense<0.000000e+00> : vector<16x4xf32>
    %dot_general3A_788 = tpu.matmul %convert_element_type3A_785, %convert_element_type3A_786, %dot_general3A_787 {dimension_numbers = #tpu.dot_dimension_numbers<[1], [0], [0], [1], [0, 0, 1, 1], [], []>, transpose_lhs_hint = false} : vector<16x8xbf16>, vector<8x4xbf16>, vector<16x4xf32> -> vector<16x4xf32>
    %add3A_789 = vector.broadcast %get3A_780 : vector<1x4xf32> to vector<16x4xf32>
    %add3A_790 = arith.addf %add3A_789, %dot_general3A_788 : vector<16x4xf32>
    %get3A_791 = arith.constant 0 : index
    %get3A_792 = arith.constant 0 : index
    %get3A_793 = vector.load %arg22[%get3A_791, %get3A_792] : memref<32x4xf32, #tpu.memory_space<vmem>>, vector<32x4xf32>
    %slice3A_794 = vector.extract_strided_slice %get3A_793 {offsets = [8, 0], sizes = [8, 4], strides = [1, 1]} : vector<32x4xf32> to vector<8x4xf32>
    %convert_element_type3A_795 = arith.truncf %add3A_547 : vector<16x8xf32> to vector<16x8xbf16>
    %convert_element_type3A_796 = arith.truncf %slice3A_794 : vector<8x4xf32> to vector<8x4xbf16>
    %dot_general3A_797 = arith.constant dense<0.000000e+00> : vector<16x4xf32>
    %dot_general3A_798 = tpu.matmul %convert_element_type3A_795, %convert_element_type3A_796, %dot_general3A_797 {dimension_numbers = #tpu.dot_dimension_numbers<[1], [0], [0], [1], [0, 0, 1, 1], [], []>, transpose_lhs_hint = false} : vector<16x8xbf16>, vector<8x4xbf16>, vector<16x4xf32> -> vector<16x4xf32>
    %add3A_799 = arith.addf %add3A_790, %dot_general3A_798 : vector<16x4xf32>
    %get3A_800 = arith.constant 0 : index
    %get3A_801 = arith.constant 0 : index
    %get3A_802 = vector.load %arg22[%get3A_800, %get3A_801] : memref<32x4xf32, #tpu.memory_space<vmem>>, vector<32x4xf32>
    %slice3A_803 = vector.extract_strided_slice %get3A_802 {offsets = [16, 0], sizes = [8, 4], strides = [1, 1]} : vector<32x4xf32> to vector<8x4xf32>
    %convert_element_type3A_804 = arith.truncf %add3A_662 : vector<16x8xf32> to vector<16x8xbf16>
    %convert_element_type3A_805 = arith.truncf %slice3A_803 : vector<8x4xf32> to vector<8x4xbf16>
    %dot_general3A_806 = arith.constant dense<0.000000e+00> : vector<16x4xf32>
    %dot_general3A_807 = tpu.matmul %convert_element_type3A_804, %convert_element_type3A_805, %dot_general3A_806 {dimension_numbers = #tpu.dot_dimension_numbers<[1], [0], [0], [1], [0, 0, 1, 1], [], []>, transpose_lhs_hint = false} : vector<16x8xbf16>, vector<8x4xbf16>, vector<16x4xf32> -> vector<16x4xf32>
    %add3A_808 = arith.addf %add3A_799, %dot_general3A_807 : vector<16x4xf32>
    %get3A_809 = arith.constant 0 : index
    %get3A_810 = arith.constant 0 : index
    %get3A_811 = vector.load %arg22[%get3A_809, %get3A_810] : memref<32x4xf32, #tpu.memory_space<vmem>>, vector<32x4xf32>
    %slice3A_812 = vector.extract_strided_slice %get3A_811 {offsets = [24, 0], sizes = [8, 4], strides = [1, 1]} : vector<32x4xf32> to vector<8x4xf32>
    %convert_element_type3A_813 = arith.truncf %add3A_777 : vector<16x8xf32> to vector<16x8xbf16>
    %convert_element_type3A_814 = arith.truncf %slice3A_812 : vector<8x4xf32> to vector<8x4xbf16>
    %dot_general3A_815 = arith.constant dense<0.000000e+00> : vector<16x4xf32>
    %dot_general3A_816 = tpu.matmul %convert_element_type3A_813, %convert_element_type3A_814, %dot_general3A_815 {dimension_numbers = #tpu.dot_dimension_numbers<[1], [0], [0], [1], [0, 0, 1, 1], [], []>, transpose_lhs_hint = false} : vector<16x8xbf16>, vector<8x4xbf16>, vector<16x4xf32> -> vector<16x4xf32>
    %add3A_817 = arith.addf %add3A_808, %dot_general3A_816 : vector<16x4xf32>
    %swap3A_818 = arith.constant 0 : index
    %swap3A_819 = arith.constant 0 : index
    %swap3A_820 = vector.load %arg33[%swap3A_818, %swap3A_819] : memref<16x4xf32, #tpu.memory_space<vmem>>, vector<16x4xf32>
    tpu.vector_store %arg33[%swap3A_818, %swap3A_819], %add3A_817 {strides = array<i32>} : memref<16x4xf32, #tpu.memory_space<vmem>>, vector<16x4xf32>,
    %get3A_821 = arith.constant 0 : index
    %get3A_822 = arith.constant 0 : index
    %get3A_823 = vector.load %arg24[%get3A_821, %get3A_822] : memref<50x32xf32, #tpu.memory_space<vmem>>, vector<50x32xf32>
    %convert_element_type3A_824 = arith.truncf %dot_general3A_275 : vector<16x50xf32> to vector<16x50xbf16>
    %convert_element_type3A_825 = arith.truncf %get3A_823 : vector<50x32xf32> to vector<50x32xbf16>
    %dot_general3A_826 = arith.constant dense<0.000000e+00> : vector<16x32xf32>
    %dot_general3A_827 = tpu.matmul %convert_element_type3A_824, %convert_element_type3A_825, %dot_general3A_826 {dimension_numbers = #tpu.dot_dimension_numbers<[1], [0], [0], [1], [0, 0, 1, 1], [], []>, transpose_lhs_hint = false} : vector<16x50xbf16>, vector<50x32xbf16>, vector<16x32xf32> -> vector<16x32xf32>
    %get3A_828 = arith.constant 0 : index
    %get3A_829 = arith.constant 0 : index
    %get3A_830 = vector.load %arg25[%get3A_828, %get3A_829] : memref<4x32xf32, #tpu.memory_space<vmem>>, vector<4x32xf32>
    %convert_element_type3A_831 = arith.truncf %add3A_817 : vector<16x4xf32> to vector<16x4xbf16>
    %convert_element_type3A_832 = arith.truncf %get3A_830 : vector<4x32xf32> to vector<4x32xbf16>
    %dot_general3A_833 = arith.constant dense<0.000000e+00> : vector<16x32xf32>
    %dot_general3A_834 = tpu.matmul %convert_element_type3A_831, %convert_element_type3A_832, %dot_general3A_833 {dimension_numbers = #tpu.dot_dimension_numbers<[1], [0], [0], [1], [0, 0, 1, 1], [], []>, transpose_lhs_hint = false} : vector<16x4xbf16>, vector<4x32xbf16>, vector<16x32xf32> -> vector<16x32xf32>
    %add3A_835 = arith.addf %dot_general3A_827, %dot_general3A_834 : vector<16x32xf32>
    %get3A_836 = arith.constant 0 : index
    %get3A_837 = arith.constant 0 : index
    %get3A_838 = vector.load %arg26[%get3A_836, %get3A_837] : memref<1x32xf32, #tpu.memory_space<vmem>>, vector<1x32xf32>
    %add3A_839 = vector.broadcast %get3A_838 : vector<1x32xf32> to vector<16x32xf32>
    %add3A_840 = arith.addf %add3A_835, %add3A_839 : vector<16x32xf32>
    %get3A_841 = arith.constant 0 : index
    %get3A_842 = arith.constant 0 : index
    %get3A_843 = vector.load %arg27[%get3A_841, %get3A_842] : memref<32x16xf32, #tpu.memory_space<vmem>>, vector<32x16xf32>
    %convert_element_type3A_844 = arith.truncf %add3A_840 : vector<16x32xf32> to vector<16x32xbf16>
    %convert_element_type3A_845 = arith.truncf %get3A_843 : vector<32x16xf32> to vector<32x16xbf16>
    %dot_general3A_846 = arith.constant dense<0.000000e+00> : vector<16x16xf32>
    %dot_general3A_847 = tpu.matmul %convert_element_type3A_844, %convert_element_type3A_845, %dot_general3A_846 {dimension_numbers = #tpu.dot_dimension_numbers<[1], [0], [0], [1], [0, 0, 1, 1], [], []>, transpose_lhs_hint = false} : vector<16x32xbf16>, vector<32x16xbf16>, vector<16x16xf32> -> vector<16x16xf32>
    %get3A_848 = arith.constant 0 : index
    %get3A_849 = arith.constant 0 : index
    %get3A_850 = vector.load %arg28[%get3A_848, %get3A_849] : memref<1x16xf32, #tpu.memory_space<vmem>>, vector<1x16xf32>
    %add3A_851 = vector.broadcast %get3A_850 : vector<1x16xf32> to vector<16x16xf32>
    %add3A_852 = arith.addf %dot_general3A_847, %add3A_851 : vector<16x16xf32>
    %get3A_853 = arith.constant 0 : index
    %get3A_854 = arith.constant 0 : index
    %get3A_855 = vector.load %arg29[%get3A_853, %get3A_854] : memref<16x1xf32, #tpu.memory_space<vmem>>, vector<16x1xf32>
    %convert_element_type3A_856 = arith.truncf %add3A_852 : vector<16x16xf32> to vector<16x16xbf16>
    %convert_element_type3A_857 = arith.truncf %get3A_855 : vector<16x1xf32> to vector<16x1xbf16>
    %dot_general3A_858 = arith.constant dense<0.000000e+00> : vector<16x1xf32>
    %dot_general3A_859 = tpu.matmul %convert_element_type3A_856, %convert_element_type3A_857, %dot_general3A_858 {dimension_numbers = #tpu.dot_dimension_numbers<[1], [0], [0], [1], [0, 0, 1, 1], [], []>, transpose_lhs_hint = false} : vector<16x16xbf16>, vector<16x1xbf16>, vector<16x1xf32> -> vector<16x1xf32>
    %get3A_860 = arith.constant 0 : index
    %get3A_861 = arith.constant 0 : index
    %get3A_862 = vector.load %arg30[%get3A_860, %get3A_861] : memref<1x1xf32, #tpu.memory_space<vmem>>, vector<1x1xf32>
    %add3A_863 = vector.broadcast %get3A_862 : vector<1x1xf32> to vector<16x1xf32>
    %add3A_864 = arith.addf %dot_general3A_859, %add3A_863 : vector<16x1xf32>
    %swap3A_865 = arith.constant 0 : index
    %swap3A_866 = arith.constant 0 : index
    %swap3A_867 = vector.load %arg31[%swap3A_865, %swap3A_866] : memref<16x1xf32, #tpu.memory_space<vmem>>, vector<16x1xf32>
    tpu.vector_store %arg31[%swap3A_865, %swap3A_866], %add3A_864 {strides = array<i32>} : memref<16x1xf32, #tpu.memory_space<vmem>>, vector<16x1xf32>,
    return
  }
}

</mosaic_0001>

<sc_bundles>
// kernel: gather_offload_async_start
scs
__scs_entry_jumppad:
0x0: {  	(pc) =	sbr.rel $0x88, $3  }
0x1: {  	(tag) =	ssettag $0x0;
	lr =	simm.s32 $0x1  }
0x2: {  	[smem:$0x3F79] =	sst lr;
	_ =	strace $0xD0000000  }
0x3: {  	_ = 	snop  }
0x4: {  	_ = 	snop  }
0x5: {  	_ = 	snop  }
0x6: {  	_ = 	snop  }
0x7: {  	_ = 	snop  }
__scs_overlays_trampoline_lowered:
0x8: {  	[smem:$0x3F88] =	sst s0  }
0x9: {  	[smem:$0x3F89] =	sst s1  }
0xa: {  	[smem:$0x3F8A] =	sst s2  }
0xb: {  	[smem:$0x3F8B] =	sst s3  }
0xc: {  	[smem:$0x3F8C] =	sst s4  }
0xd: {  	[smem:$0x3F8D] =	sst s5  }
0xe: {  	[smem:$0x3F8E] =	sst s6  }
0xf: {  	[smem:$0x3F8F] =	sst s7  }
0x10: {  	[smem:$0x3F90] =	sst s8  }
0x11: {  	[smem:$0x3F91] =	sst s9;
	s0 =	simm.s32 @!p0 $0x0  }
0x12: {  	s1 =	sld [smem:$0x3F77];
	s0 =	simm.s32 @p0 $0x1  }
0x13: {  	[smem:$0x3F92] =	sst s0;
	s0 =	simm.s32 @!p1 $0x0  }
0x14: {  	s2 =	sld [smem:$0x3F76];
	s0 =	simm.s32 @p1 $0x1  }
0x15: {  	[smem:$0x3F93] =	sst s0;
	s0 =	simm.s32 @!p2 $0x0  }
0x16: {  	s3 =	sld [smem:$0x3FDB];
	s0 =	simm.s32 @p2 $0x1  }
0x17: {  	s4 =	simm.s32 $0x1BF5;
	[smem:$0x3F95] =	sst s0  }
0x18: {  	s0 =	sld [smem:$0x3F78];
	_ =	swait.ge [sflag:s4], $0x0  }
0x19: {  	s7 =	sld [smem:$0x3F79]  }
0x1a: {  	s8 =	sadd.s32 $0xFFFFE003, lr  }
0x1b: {  	s9 =	sadd.s32 $0xFFFFFEF7, lr;
	s5 =	simm.s32 $0xFFFFFFFF;
	p2 =	slt.u32 s8, $0xFFFFF086  }
0x1c: {  	p1 =	slt.u32 s9, $0xF7A;
	s5 =	simm.s32 @!p2 $0x0  }
0x1d: {  	s5 =	simm.s32 @p1 $0x1;
	p0 =	seq.s32 s7, s2  }
0x1e: {  	s7 =	smul.u32 @!p0 $0xF7A, s2;
	p2 =	seq.s32 @!p0 s5, $0x0  }
0x1f: {  	s9 =	smul.u32 $0xF7A, s1;
	s8 =	simm.s32 @!p0 $0x1BF5;
	p2 =	por !p2, p0  }
0x20: {  	[sflag:s8] =	ssyncset.s32 @!p0 $0xFFFFF086;
	s6 =	sadd.s32 @!p0 s3, s7;
	s7 =	simm.s32 @!p0 $0x108  }
0x21: {  	s3 =	sadd.s32 s3, s9;
	s6 =	sadd.s32 @!p0 $0x88, s6;
	s7 =	simm.s32 @p2 $0x1082  }
0x22: {  	[simem:s7], [sflag:s8] =	dma.local @!p0 [hbm:s6], $0xF7A  }
0x23: {  	s9 =	sor.u32 $0xD0000000, s2;
	s6 =	simm.s32 $0x108;
	_ =	swait.ge @!p0 [sflag:s8], $0x0  }
0x24: {  	s3 =	sadd.s32 $0x88, s3;
	s6 =	simm.s32 @!p1 $0x1082;
	[sflag:s4] =	ssyncset.s32 $0xFFFFF086  }
0x25: {  	[simem:s6], [sflag:s4] =	dma.local [hbm:s3], $0xF7A  }
0x26: {  	[smem:$0x3F79] =	sst s1;
	(tag) =	ssettag s2;
	_ =	strace s9  }
0x27: {  	s1 =	sld [smem:$0x3F89]  }
0x28: {  	s2 =	sld [smem:$0x3F8A]  }
0x29: {  	s4 =	sld [smem:$0x3F8C]  }
0x2a: {  	p0 =	seq.s32 s5, $0x0;
	s5 =	sld [smem:$0x3F8D]  }
0x2b: {  	s6 =	sld [smem:$0x3F8E]  }
0x2c: {  	s7 =	sld [smem:$0x3F8F]  }
0x2d: {  	s3 =	simm.s32 $0x108;
	s8 =	sld [smem:$0x3F90]  }
0x2e: {  	s3 =	simm.s32 @!p0 $0x1082;
	s9 =	sld [smem:$0x3F91]  }
0x2f: {  	lr =	sadd.s32 s0, s3;
	s0 =	sld [smem:$0x3F88]  }
0x30: {  	s3 =	sld [smem:$0x3F8B]  }
0x31: {  	[smem:$0x3F94] =	sst s10  }
0x32: {  	s10 =	sld [smem:$0x3F92];
	_ =	sdelay $0x3  }
0x33: {  	p0 =	seq.s32 s10, $0x1;
	s10 =	sld [smem:$0x3F94];
	_ =	sdelay $0x3  }
0x34: {  	[smem:$0x3F94] =	sst s10  }
0x35: {  	s10 =	sld [smem:$0x3F93];
	_ =	sdelay $0x3  }
0x36: {  	p1 =	seq.s32 s10, $0x1;
	s10 =	sld [smem:$0x3F94];
	_ =	sdelay $0x3  }
0x37: {  	[smem:$0x3F94] =	sst s10  }
0x38: {  	s10 =	sld [smem:$0x3F95]  }
0x39: {  	_ = 	snop;
	(pc) =	sbr.ind lr, $3  }
0x3a: {  	_ = 	snop  }
0x3b: {  	_ = 	snop  }
0x3c: {  	p2 =	seq.s32 s10, $0x1;
	s10 =	sld [smem:$0x3F94]  }
0x3d: {  	_ =	shalt  }
0x3e: {  	_ =	shalt  }
0x3f: {  	_ =	shalt  }
0x40: {  	_ =	shalt  }
0x41: {  	_ =	shalt  }
0x42: {  	_ =	shalt  }
0x43: {  	_ =	shalt  }
0x44: {  	_ =	shalt  }
0x45: {  	_ =	shalt  }
0x46: {  	_ =	shalt  }
0x47: {  	_ =	shalt  }
0x48: {  	_ =	shalt  }
0x49: {  	_ =	shalt  }
0x4a: {  	_ =	shalt  }
0x4b: {  	_ =	shalt  }
0x4c: {  	_ =	shalt  }
0x4d: {  	_ =	shalt  }
0x4e: {  	_ =	shalt  }
0x4f: {  	_ =	shalt  }
0x50: {  	_ =	shalt  }
0x51: {  	_ =	shalt  }
0x52: {  	_ =	shalt  }
0x53: {  	_ =	shalt  }
0x54: {  	_ =	shalt  }
0x55: {  	_ =	shalt  }
0x56: {  	_ =	shalt  }
0x57: {  	_ =	shalt  }
0x58: {  	_ =	shalt  }
0x59: {  	_ =	shalt  }
0x5a: {  	_ =	shalt  }
0x5b: {  	_ =	shalt  }
0x5c: {  	_ =	shalt  }
0x5d: {  	_ =	shalt  }
0x5e: {  	_ =	shalt  }
0x5f: {  	_ =	shalt  }
0x60: {  	_ =	shalt  }
0x61: {  	_ =	shalt  }
0x62: {  	_ =	shalt  }
0x63: {  	_ =	shalt  }
0x64: {  	_ =	shalt  }
0x65: {  	_ =	shalt  }
0x66: {  	_ =	shalt  }
0x67: {  	_ =	shalt  }
0x68: {  	_ =	shalt  }
0x69: {  	_ =	shalt  }
0x6a: {  	_ =	shalt  }
0x6b: {  	_ =	shalt  }
0x6c: {  	_ =	shalt  }
0x6d: {  	_ =	shalt  }
0x6e: {  	_ =	shalt  }
0x6f: {  	_ =	shalt  }
0x70: {  	_ =	shalt  }
0x71: {  	_ =	shalt  }
0x72: {  	_ =	shalt  }
0x73: {  	_ =	shalt  }
0x74: {  	_ =	shalt  }
0x75: {  	_ =	shalt  }
0x76: {  	_ =	shalt  }
0x77: {  	_ =	shalt  }
0x78: {  	_ =	shalt  }
0x79: {  	_ =	shalt  }
0x7a: {  	_ =	shalt  }
0x7b: {  	_ =	shalt  }
0x7c: {  	_ =	shalt  }
0x7d: {  	_ =	shalt  }
0x7e: {  	_ =	shalt  }
0x7f: {  	_ =	shalt  }
0x80: {  	_ =	shalt  }
0x81: {  	_ =	shalt  }
0x82: {  	_ =	shalt  }
0x83: {  	_ =	shalt  }
0x84: {  	_ =	shalt  }
0x85: {  	_ =	shalt  }
0x86: {  	_ =	shalt  }
0x87: {  	_ =	shalt  }
.Lfunc_end0:
.L_simem_size_0:
called_computation.1_lowered:
.L_overlay_start_0:
0x88: {  	s2 =	sld [smem:$0x3FD9]  }
0x89: {  	s3 =	sld [smem:$0x3FFE];
	_ =	sdelay $0x1  }
0x8a: {  	s1 =	srdreg.scid  }
0x8b: {  	s0 =	sand.u32 $0x1, s1  }
0x8c: {  	s16 =	sshll.u32 s0, $0xA;
	s2 =	sadd.s32 s3, s2  }
0x8d: {  	s2 =	sadd.s32 s2, s16  }
0x8e: {  	[smem:$0x3FA0] =	sst s2  }
0x8f: {  	_ = 	snop  }
0x90: {  	(tm) =	ssettm $0x1  }
0x91: {  	s17 =	sld [smem:$0x3FFB];
	_ =	sdelay $0x3  }
0x92: {  	_ =	strace s17  }
0x93: {  	s2 =	sld [smem:$0x3FFC];
	_ =	sdelay $0x3  }
0x94: {  	_ =	strace s2  }
0x95: {  	s2 =	sld [smem:$0x3FFD];
	_ =	sdelay $0x3  }
0x96: {  	_ =	strace s2  }
0x97: {  	_ =	strace $0x8FFFFFFF  }
0x98: {  	s18 =	sld [smem:$0x3FDB];
	_ =	sdelay $0x1  }
0x99: {  	s19 =	simm.s32 $_scs_section_size  }
0x9a: {  	s4 =	simm.s32 $_size__tile_overlayer_lowered;
	s5 =	simm.s32 $_tile_overlayer_lowered  }
0x9b: {  	s22 =	simm.s32 $0x1BFF;
	s21 =	sshll.u32 s5, $0x1;
	s2 =	sadd.s32 s19, s18  }
0x9c: {  	s6 =	simm.s32 $0x0;
	s20 =	sshll.u32 s4, $0x1;
	s4 =	sadd.s32 s21, s2  }
0x9d: {  	[timem:s6], [sflag:s22] =	dma.local [hbm:s4], s20  }
0x9e: {  	_ =	swait.ge [sflag:s22], s20  }
0x9f: {  	s3 =	ssub.s32 $0x0, s20;
	[sflag:s22] =	ssyncset.done $0x0  }
0xa0: {  	[sflag:s22] =	ssyncadd.s32 s3;
	_ =	sdelay $0x1  }
0xa1: {  	s23 =	simm.s32 $0x1B8B  }
0xa2: {  	_ =	swait.ge [sflag:s23], $0x1  }
0xa3: {  	[sflag:s23] =	ssyncset.done $0x0  }
0xa4: {  	s25 =	simm.s32 $0x1B8E;
	s24 =	sld [smem:$0x3FFE];
	[sflag:s23] =	ssyncadd.s32 $0xFFFFFFFF  }
0xa5: {  	s26 =	simm.s32 $execute0_lowered;
	[smem:$0x3FD2] =	sst s25  }
0xa6: {  	s4 =	sshll.u32 s26, $0x1;
	_ =	strace $0x80000049;
	[dreg:$0x1] =	wrdreg $0xFFFFFFFF  }
0xa7: {  	s28 =	simm.s32 $_size_execute0_lowered;
	s2 =	sadd.s32 s2, s4;
	[dreg:$0x0] =	wrdreg $0x0  }
0xa8: {  	s4 =	sshll.u32 s28, $0x1;
	[dreg:$0x2] =	wrdreg s2  }
0xa9: {  	[dreg:$0x3] =	wrdreg s4  }
0xaa: {  	[dreg:$0x4] =	wrdreg $0xC0  }
0xab: {  	_ =	task [dreg:s6], $0x5FFFF  }
0xac: {  	[dreg:$0x1] =	wrdreg $0xFFFFFFFF  }
0xad: {  	[dreg:$0x0] =	wrdreg $0x60  }
0xae: {  	[dreg:$0x2] =	wrdreg s24  }
0xaf: {  	[dreg:$0x3] =	wrdreg $0x9  }
0xb0: {  	_ =	task.clear_ibuf [dreg:s6], $0x4FFFF;
	_ =	strace $0x90000049  }
0xb1: {  	s29 =	simm.s32 $0x9;
	_ =	strace $0x8000004B  }
0xb2: {  	_ =	swait.ge [sflag:s29], $0x1  }
0xb3: {  	[sflag:s29] =	ssyncadd.s32 $0xFFFFFFFF  }
0xb4: {  	_ =	strace $0x9000004B  }
0xb5: {  	_ =	sfence  }
0xb6: {  	s30 =	sld [smem:$0x0];
	_ =	sdelay $0x2  }
0xb7: {  	s31 =	sshll.u32 s1, $0xD;
	s1 =	sshrl.u32 s1, $0x2  }
0xb8: {  	s3 =	sand.u32 $0x4000, s31;
	s1 =	sadd.s32 s1, s30  }
0xb9: {  	s0 =	sor.u32 s3, s0;
	s1 =	sshll.u32 s1, $0x11  }
0xba: {  	s0 =	sor.u32 s1, s0  }
0xbb: {  	s0 =	sadd.s32 $0x8F2B, s0  }
0xbc: {  	[sflag:s0] =	ssyncadd.remote.s32 $0x1  }
0xbd: {  	_ =	sfence.sel $0xFFFF  }
0xbe: {  	[dreg:$0x0] =	wrdreg $0xFFFFFFFF;
	(pc) =	sbr.abs _section_cstart, $3  }
0xbf: {  	[dreg:$0x1] =	wrdreg $0xFFFFFFFF  }
0xc0: {  	_ =	task.clear_ibuf [dreg:s6], $0x2FFFF;
	_ =	strace $0x9FFFFFFF  }
0xc1: {  	(tm) =	ssettm $0x7FFFFFFF  }
tec
execute0_lowered:
.L_overlay_start_1:
0x0: {  	(tag) =	ssettag $0x1  }
0x1: {  	s0 =	srdreg.scid;
	s5 =	rddreg [dreg:$0x0]  }
0x2: {  	s1 =	stileid.u32;
	s6 =	simm.s32 $0x1;
	s9 =	simm.s32 $0x1  }
0x3: {  	s10 =	simm.s32 $0x3;
	s13 =	simm.s32 $0x0;
	s2 =	sshll.u32 s0, $0xB  }
0x4: {  	s12 =	simm.s32 $0x0;
	s3 =	sshll.u32 s1, $0xC;
	s2 =	sand.u32 $0x800, s2  }
0x5: {  	s0 =	rddreg [dreg:$0x1];
	_ =	strace $0x8000004A;
	s2 =	sor.u32 s3, s2  }
0x6: {  	s4 =	sadd.s32 $0x16400, s5;
	[sflag:s6] =	ssyncpa.u1 $0x0;
	s8 =	ssub.s32 $0x14000, s2  }
.Ltmp0:
0x7: {  	s3 =	sadd.s32 $0xE400, s5;
	s7 =	sand.u32 $0xF800, s8;
	(pc) =	sbr.rel .LBB2_1-.Ltmp0, $4  }
0x8: {  	s5 =	sadd.s32 $0x18C00, s5;
	s11 =	smov.u32 s2;
	p0 =	sne.s32 s7, $0x0  }
0x9: {  	s8 =	sshrl.u32 s8, $0x10;
	s7 =	simm.s32 $0x2;
	s9 =	simm.s32 @!p0 $0x0  }
0xa: {  	[sflag:s7] =	ssyncpa.u1 $0x0;
	p0 =	por $0x0, $0x0;
	s8 =	sadd.s32 s9, s8  }
0xb: {  	vm0 =	vmmov $0xffff;
	[sflag:s10] =	ssyncpa.u1 $0x0;
	s10 =	simm.s32 $0x0;
	s9 =	sadd.s32 $0x1, s8  }
.LBB2_4:
0xc: {  	vm1 =	veq.s32 v0, $0x80000000;
	v63 =	vand.u32 $0x7F, v0;
	v2 =	vand.u32 $0x7FF, v2  }
0xd: {  	v0 =	vsel vm1, $0xFFFFFFFF, v63;
	v2 =	vsel vm1, $0xFFFFFFFF, v2  }
0xe: {  	v3 =	vshll.u32 v0, $0xB;
	v4 =	vshll.u32 v2, $0x3  }
0xf: {  	v0 =	vshll.u32 v0, $0x7;
	v3 =	vand.u32 $0xFFFFC000, v3;
	v4 =	vand.u32 $0xFFFFFC00, v4  }
0x10: {  	v0 =	vand.u32 $0x380, v0;
	v3 =	vadd.s32 v3, v4  }
0x11: {  	v2 =	vand.u32 $0x7F, v2;
	v0 =	vor.u32 v0, v3  }
0x12: {  	v0 =	vor.u32 v2, v0;
	_ =	sdelay $0x1  }
0x13: {  	(ifvalue) =	ssetifvalue $0x7FFFFFFF;
	s14 =	sadd.s32 $0x10, s14  }
0x14: {  	[tilespmem:s14], [sflag:$0x1] =	stream.indirect_vreg.gather [hbm4b:s3+s10], $0x1, v1, vm0, $0x4038;
	[tilespmem:$0x2000] =	vst v63  }
0x15: {  	(ifvalue) =	ssetifvalue $0x7FFFFFFF;
	s14 =	sadd.s32 $0x10, s14  }
0x16: {  	[tilespmem:s14], [sflag:$0x1] =	stream.indirect_vreg.gather [hbm4b:s3+s10], $0x1, v0, vm0, $0x4038;
	[tilespmem:$0x2000] =	vst v63  }
0x17: {  	_ =	swait.ge [sflag:s6], $0x800  }
0x18: {  	s30 =	sshrl.u32 s13, $0x3;
	[sflag:s6] =	ssyncset.done $0x0  }
0x19: {  	s31 =	sand.u32 $0x7, s13;
	s14 =	sadd.s32 s5, s30;
	[sflag:s6] =	ssyncadd.s32 $0xFFFFF800  }
0x1a: {  	[hbm4b:s14+s31] =	stream.linear.scatter [tilespmem:s15], [sflag:$0x3], $0x800, $0x38;
	[tilespmem:$0x2000] =	vst v63  }
.LBB2_5:
0x1b: {  	s15 =	sadd.s32 $0x10000, s11  }
0x1c: {  	p2 =	sgt.s32 s15, $0x13FFF  }
0x1d: {  	s15 =	smov.u32 @p2 s2;
	p2 =	sne.s32 s12, s9  }
.Ltmp1:
0x1e: {  	p1 =	slt.u32 s12, $0x2;
	(pc) =	sbr.rel @!p2 .LBB2_6-.Ltmp1, $4  }
0x1f: {  	s14 =	simm.s32 @!p1 $0x3  }
0x20: {  	s16 =	sadd.s32 $0x1, s12;
	_ =	swait.ge @!p1 [sflag:s14], $0x800  }
0x21: {  	s13 =	smov.u32 s11;
	p0 =	por !p0, !p0;
	[sflag:s14] =	ssyncset.done @!p1 $0x0  }
0x22: {  	s12 =	smov.u32 s16;
	s11 =	smov.u32 s15;
	[sflag:s14] =	ssyncadd.s32 @!p1 $0xFFFFF800  }
.LBB2_1:
0x23: {  	p1 =	sge.u32 s12, s8  }
0x24: {  	s14 =	sxor.u32 @!p1 $0xFFFFFFFF, s12  }
0x25: {  	s31 =	sadd.s32 $0xFFFFFFFF, s12;
	s15 =	sshrl.u32 @!p1 s11, $0x3;
	s14 =	sshll.u32 @!p1 s14, $0xB  }
0x26: {  	s16 =	sand.u32 @!p1 $0x7, s11;
	s15 =	sadd.s32 @!p1 s4, s15;
	s14 =	sand.u32 @!p1 $0x800, s14  }
0x27: {  	[tilespmem:s14], [sflag:$0x2] =	stream.linear.gather @!p1 [hbm4b:s15+s16], $0x800, $0x38;
	[tilespmem:$0x2000] =	vst v63  }
0x28: {  	p1 =	sge.u32 s31, s8  }
.Ltmp2:
0x29: {  	_ = 	snop;
	(pc) =	sbr.rel @p1 .LBB2_5-.Ltmp2, $1  }
0x2a: {  	_ =	sdelay $0x3  }
0x2b: {  	s14 =	simm.s32 $0x1  }
0x2c: {  	_ =	swait.ge [sflag:s7], $0x800;
	s14 =	simm.s32 @!p0 $0x0  }
0x2d: {  	[sflag:s7] =	ssyncset.done $0x0;
	s14 =	sshll.u32 s14, $0xB  }
0x2e: {  	[sflag:s7] =	ssyncadd.s32 $0xFFFFF800;
	(ifvalue) =	ssetifvalue $0x7FFFFFFF;
	v0 =	vld.msk [tilespmem:s14+$0x0 ss:$0x1], $0xffff;
	_ =	sdelay $0x3  }
0x2f: {  	s15 =	sadd.s32 $0x10, s14  }
0x30: {  	v2 =	vld.msk [tilespmem:s15+$0x0 ss:$0x1], $0xffff;
	v1 =	vshrl.u32 v0, $0x7  }
0x31: {  	vm1 =	veq.s32 v0, $0x80000000;
	v0 =	vand.u32 $0x7F, v0;
	v1 =	vand.u32 $0x7FF, v1  }
0x32: {  	v0 =	vsel vm1, $0xFFFFFFFF, v0;
	v1 =	vsel vm1, $0xFFFFFFFF, v1  }
0x33: {  	v3 =	vshll.u32 v0, $0xB;
	v4 =	vshll.u32 v1, $0x3  }
0x34: {  	v0 =	vshll.u32 v0, $0x7;
	v3 =	vand.u32 $0xFFFFC000, v3;
	v4 =	vand.u32 $0xFFFFFC00, v4  }
0x35: {  	vm1 =	veq.s32 v2, $0x80000000;
	v0 =	vand.u32 $0x380, v0;
	v3 =	vadd.s32 v3, v4  }
0x36: {  	v1 =	vand.u32 $0x7F, v1;
	v0 =	vor.u32 v0, v3;
	v3 =	vshrl.u32 v2, $0x7  }
0x37: {  	s17 =	sadd.s32 $0x10, s15;
	v2 =	vand.u32 $0x7F, v2;
	v1 =	vor.u32 v1, v0;
	v3 =	vand.u32 $0x7FF, v3  }
0x38: {  	v0 =	vld.msk [tilespmem:s17+$0x0 ss:$0x1], $0xffff;
	v2 =	vsel vm1, $0xFFFFFFFF, v2;
	v3 =	vsel vm1, $0xFFFFFFFF, v3  }
0x39: {  	v63 =	vshll.u32 v2, $0xB;
	v5 =	vshll.u32 v3, $0x3  }
0x3a: {  	s31 =	sshll.u32 s12, $0xB;
	v2 =	vshll.u32 v2, $0x7;
	v4 =	vand.u32 $0xFFFFC000, v63;
	v5 =	vand.u32 $0xFFFFFC00, v5  }
0x3b: {  	s14 =	sor.u32 $0x1000, s14;
	s15 =	sand.u32 $0x800, s31;
	(ifvalue) =	ssetifvalue $0x7FFFFFFF;
	v2 =	vand.u32 $0x380, v2;
	v4 =	vadd.s32 v4, v5  }
0x3c: {  	[tilespmem:s14], [sflag:$0x1] =	stream.indirect_vreg.gather [hbm4b:s3+s10], $0x1, v1, vm0, $0x4038;
	v1 =	vand.u32 $0x7F, v3;
	v3 =	vor.u32 v2, v4;
	[tilespmem:$0x2000] =	vst v63  }
0x3d: {  	s16 =	simm.s32 $0x20;
	s15 =	sor.u32 $0x1000, s15;
	s17 =	sadd.s32 $0x10, s17;
	v2 =	vshrl.u32 v0, $0x7;
	v1 =	vor.u32 v1, v3  }
.LBB2_3:
0x3e: {  	s16 =	sadd.s32 $0x10, s16;
	vm1 =	veq.s32 v0, $0x80000000;
	v3 =	vand.u32 $0x7F, v0;
	v0 =	vld.msk [tilespmem:s17+$0x0 ss:$0x1], $0xffff;
	v2 =	vand.u32 $0x7FF, v2  }
0x3f: {  	p1 =	slt.u32 s16, $0x7F0;
	v3 =	vsel vm1, $0xFFFFFFFF, v3;
	v2 =	vsel vm1, $0xFFFFFFFF, v2  }
.Ltmp3:
0x40: {  	v4 =	vshll.u32 v3, $0xB;
	v5 =	vshll.u32 v2, $0x3;
	(pc) =	sbr.rel @p1 .LBB2_3-.Ltmp3, $4  }
0x41: {  	s14 =	sadd.s32 $0x10, s14;
	v3 =	vshll.u32 v3, $0x7;
	v4 =	vand.u32 $0xFFFFC000, v4;
	v5 =	vand.u32 $0xFFFFFC00, v5;
	(ifvalue) =	ssetifvalue $0x7FFFFFFF  }
0x42: {  	v3 =	vand.u32 $0x380, v3;
	v4 =	vadd.s32 v4, v5;
	[tilespmem:s14], [sflag:$0x1] =	stream.indirect_vreg.gather [hbm4b:s3+s10], $0x1, v1, vm0, $0x4038;
	[tilespmem:$0x2000] =	vst v63  }
0x43: {  	v1 =	vand.u32 $0x7F, v2;
	v3 =	vor.u32 v3, v4  }
0x44: {  	s17 =	sadd.s32 $0x10, s17;
	v2 =	vshrl.u32 v0, $0x7;
	v1 =	vor.u32 v1, v3  }
.Ltmp4:
0x45: {  	_ = 	snop;
	(pc) =	sbr.rel .LBB2_4-.Ltmp4, $1  }
0x46: {  	_ =	sdelay $0x3  }
.LBB2_6:
0x47: {  	_ =	sfence.sel $0x180000  }
0x48: {  	s2 =	simm.s32 $0x2;
	[bflag:$0x0] =	sbarrier.arrive $0xFFFF  }
0x49: {  	s30 =	simm.s32 $0x3;
	[sflag:s2] =	ssyncpa.u1 $0x1  }
0x4a: {  	s31 =	simm.s32 $0x1;
	[sflag:s30] =	ssyncpa.u1 $0x1  }
0x4b: {  	[sflag:s31] =	ssyncpa.u1 $0x1  }
0x4c: {  	p0 =	sne.s32 s1, $0x0;
	_ =	strace $0x9000004A  }
0x4d: {  	s0 =	sadd.s32 @!p0 $0x100000, s0;
	[bflag:$0x2] =	sbarrier.arrive $0xFFFF  }
0x4e: {  	[sflag:s0] =	ssyncadd.tile.s32 @!p0 $0x1;
	_ =	shalt  }
.Lfunc_end2:
_tile_overlayer_lowered:
.L_overlay_start_2:
0x4f: {  	(tag) =	ssettag $0x2  }
0x50: {  	s0 =	rddreg [dreg:$0x0];
	s2 =	stileid.u32  }
0x51: {  	s1 =	rddreg [dreg:$0x1];
	p0 =	sne.s32 s2, $0x0  }
0x52: {  	s3 =	rddreg [dreg:$0x2];
	[bflag:$0x3] =	sbarrier.arrive $0xFFFF;
	s2 =	simm.s32 @!p0 $0x1C01  }
0x53: {  	[timem:s3], [sflag:s2] =	dma.local @!p0 [hbm:s0], s1  }
0x54: {  	s0 =	simm.s32 @!p0 $0x1  }
0x55: {  	_ =	swait.ge @!p0 [sflag:s0], s1  }
0x56: {  	s1 =	ssub.s32 @!p0 $0x0, s1;
	[sflag:s0] =	ssyncset.done @!p0 $0x0  }
0x57: {  	[sflag:s0] =	ssyncadd.s32 @!p0 s1  }
0x58: {  	[bflag:$0x3] =	sbarrier.arrive $0xFFFF  }
0x59: {  	_ =	shalt  }

// kernel: sparse-core-data-format-call.cloned.1.call-start
scs
called_computation_lowered:
.L_overlay_start_0:
0x0: {  	s1 =	sld [smem:$0x3FD9]  }
0x1: {  	s2 =	sld [smem:$0x3FFE];
	_ =	sdelay $0x1  }
0x2: {  	s3 =	srdreg.scid  }
0x3: {  	s0 =	sand.u32 $0x1, s3  }
0x4: {  	s17 =	sshll.u32 s0, $0xA;
	s1 =	sadd.s32 s2, s1  }
0x5: {  	s1 =	sadd.s32 s1, s17  }
0x6: {  	[smem:$0x3FA0] =	sst s1  }
0x7: {  	_ = 	snop  }
0x8: {  	(tm) =	ssettm $0x1  }
0x9: {  	s18 =	sld [smem:$0x3FFB];
	_ =	sdelay $0x3  }
0xa: {  	_ =	strace s18  }
0xb: {  	s1 =	sld [smem:$0x3FFC];
	_ =	sdelay $0x3  }
0xc: {  	_ =	strace s1  }
0xd: {  	s1 =	sld [smem:$0x3FFD];
	_ =	sdelay $0x3  }
0xe: {  	_ =	strace s1  }
0xf: {  	_ =	strace $0x8FFFFFFF  }
0x10: {  	s19 =	sld [smem:$0x3FDB];
	_ =	sdelay $0x1  }
0x11: {  	s20 =	simm.s32 $_scs_section_size  }
0x12: {  	s4 =	simm.s32 $_size__tile_overlayer_lowered;
	s5 =	simm.s32 $_tile_overlayer_lowered  }
0x13: {  	s23 =	simm.s32 $0x1BFF;
	s22 =	sshll.u32 s5, $0x1;
	s1 =	sadd.s32 s20, s19  }
0x14: {  	s6 =	simm.s32 $0x0;
	s21 =	sshll.u32 s4, $0x1;
	s4 =	sadd.s32 s22, s1  }
0x15: {  	[timem:s6], [sflag:s23] =	dma.local [hbm:s4], s21  }
0x16: {  	_ =	swait.ge [sflag:s23], s21  }
0x17: {  	s2 =	ssub.s32 $0x0, s21;
	[sflag:s23] =	ssyncset.done $0x0  }
0x18: {  	[sflag:s23] =	ssyncadd.s32 s2;
	_ =	sdelay $0x1  }
0x19: {  	s24 =	simm.s32 $0x1B8B  }
0x1a: {  	_ =	swait.ge [sflag:s24], $0x1  }
0x1b: {  	[sflag:s24] =	ssyncset.done $0x0  }
0x1c: {  	s26 =	simm.s32 $0x1B8E;
	s25 =	sld [smem:$0x3FFE];
	[sflag:s24] =	ssyncadd.s32 $0xFFFFFFFF  }
0x1d: {  	s27 =	simm.s32 $execute0_lowered;
	[smem:$0x3FD2] =	sst s26  }
0x1e: {  	s4 =	sshll.u32 s27, $0x1;
	_ =	strace $0x80000046;
	[dreg:$0x1] =	wrdreg $0xFFFFFFFF  }
0x1f: {  	s28 =	simm.s32 $_size_execute0_lowered;
	s1 =	sadd.s32 s1, s4;
	[dreg:$0x0] =	wrdreg $0x0  }
0x20: {  	s4 =	sshll.u32 s28, $0x1;
	[dreg:$0x2] =	wrdreg s1  }
0x21: {  	[dreg:$0x3] =	wrdreg s4  }
0x22: {  	[dreg:$0x4] =	wrdreg $0xC0  }
0x23: {  	_ =	task [dreg:s6], $0x5FFFF  }
0x24: {  	[dreg:$0x1] =	wrdreg $0xFFFFFFFF  }
0x25: {  	[dreg:$0x0] =	wrdreg $0x60  }
0x26: {  	[dreg:$0x2] =	wrdreg s25  }
0x27: {  	[dreg:$0x3] =	wrdreg $0x9  }
0x28: {  	_ =	task.clear_ibuf [dreg:s6], $0x4FFFF;
	_ =	strace $0x90000046  }
0x29: {  	s29 =	simm.s32 $0x9;
	_ =	strace $0x80000048  }
0x2a: {  	_ =	swait.ge [sflag:s29], $0x1  }
0x2b: {  	[sflag:s29] =	ssyncadd.s32 $0xFFFFFFFF  }
0x2c: {  	_ =	strace $0x90000048  }
0x2d: {  	_ =	sfence  }
0x2e: {  	s30 =	sld [smem:$0x0];
	_ =	sdelay $0x2  }
0x2f: {  	s31 =	sshll.u32 s3, $0xD;
	s3 =	sshrl.u32 s3, $0x2  }
0x30: {  	s2 =	sand.u32 $0x4000, s31;
	s1 =	sadd.s32 s3, s30  }
0x31: {  	s0 =	sor.u32 s2, s0;
	s1 =	sshll.u32 s1, $0x11  }
0x32: {  	s0 =	sor.u32 s1, s0  }
0x33: {  	s0 =	sadd.s32 $0x8F2B, s0  }
0x34: {  	[sflag:s0] =	ssyncadd.remote.s32 $0x1  }
0x35: {  	_ =	sfence.sel $0xFFFF  }
0x36: {  	[dreg:$0x0] =	wrdreg $0xFFFFFFFF;
	(pc) =	sbr.abs _section_cstart, $3  }
0x37: {  	[dreg:$0x1] =	wrdreg $0xFFFFFFFF  }
0x38: {  	_ =	task.clear_ibuf [dreg:s6], $0x2FFFF;
	_ =	strace $0x9FFFFFFF  }
0x39: {  	(tm) =	ssettm $0x7FFFFFFF  }
tec
execute0_lowered:
.L_overlay_start_1:
0x0: {  	(tag) =	ssettag $0x1  }
0x1: {  	s1 =	rddreg [dreg:$0x0]  }
0x2: {  	s0 =	rddreg [dreg:$0x1]  }
0x3: {  	_ =	strace $0x80000047;
	s4 =	srdreg.scid;
	s6 =	simm.s32 $0x2  }
0x4: {  	s11 =	simm.s32 $0x0;
	p0 =	por $0x0, $0x0;
	s7 =	simm.s32 $0x4000  }
.Ltmp0:
0x5: {  	s12 =	simm.s32 $0x0;
	s9 =	simm.s32 $0x0;
	(pc) =	sbr.rel .LBB1_1-.Ltmp0, $4  }
0x6: {  	s2 =	sadd.s32 $0x64600, s1;
	s3 =	sadd.s32 $0x264600, s1;
	s5 =	sshll.u32 s4, $0x4  }
0x7: {  	s1 =	stileid.u32;
	s4 =	simm.s32 $0x1;
	s5 =	sand.u32 $0x10, s5  }
0x8: {  	s8 =	simm.s32 $0x0;
	[sflag:s4] =	ssyncpa.u1 $0x0;
	s5 =	sor.u32 s1, s5  }
0x9: {  	[sflag:s6] =	ssyncpa.u1 $0x0;
	s6 =	simm.s32 $0x80;
	s10 =	smov.u32 s5  }
.LBB1_7:
0xa: {  	s13 =	sadd.s32 $0x8, s9  }
0xb: {  	s11 =	sadd.s32 $0x20, s10;
	s15 =	smov.u32 s10;
	p2 =	sgt.s32 s13, $0x3F  }
0xc: {  	p1 =	slt.u32 s8, $0x2;
	s15 =	smov.u32 @p2 s11  }
0xd: {  	s8 =	sadd.s32 $0x1, s8;
	s13 =	simm.s32 @p2 $0x0;
	p2 =	sgt.s32 s15, $0x7F  }
0xe: {  	s15 =	smov.u32 @p2 s5;
	p2 =	sne.s32 s8, $0x22  }
.Ltmp1:
0xf: {  	_ = 	snop;
	(pc) =	sbr.rel @!p2 .LBB1_8-.Ltmp1, $4  }
0x10: {  	s14 =	simm.s32 @!p1 $0x2  }
0x11: {  	s12 =	smov.u32 s10;
	_ =	swait.ge @!p1 [sflag:s14], $0x4000  }
0x12: {  	p0 =	por !p0, !p0;
	s11 =	smov.u32 s9;
	[sflag:s14] =	ssyncset.done @!p1 $0x0  }
0x13: {  	s9 =	smov.u32 s13;
	[sflag:s14] =	ssyncadd.s32 @!p1 $0xFFFFC000;
	s10 =	smov.u32 s15  }
.LBB1_1:
0x14: {  	p1 =	sgt.u32 s8, $0x1F  }
0x15: {  	s13 =	sxor.u32 @!p1 $0xFFFFFFFF, s8;
	s14 =	sshll.u32 @!p1 s10, $0xE  }
0x16: {  	s15 =	sshll.u32 @!p1 s9, $0x8;
	s13 =	sshll.u32 @!p1 s13, $0xE;
	s14 =	sadd.s32 @!p1 s2, s14  }
0x17: {  	s13 =	sand.u32 @!p1 $0x4000, s13;
	s14 =	sadd.s32 @!p1 s15, s14;
	s15 =	simm.s32 @!p1 $0x0  }
0x18: {  	[tilespmem:s13], [sflag:$0x1] =	stream.linear.gather @!p1 [hbm4b:s14+s15], $0x4000, $0x38;
	[tilespmem:$0x10000] =	vst v63  }
0x19: {  	p1 =	seq.s32 s8, $0x0  }
0x1a: {  	p2 =	seq.s32 @!p1 s8, $0x21  }
0x1b: {  	p1 =	por p1, p2  }
.Ltmp2:
0x1c: {  	_ = 	snop;
	(pc) =	sbr.rel @p1 .LBB1_7-.Ltmp2, $1  }
0x1d: {  	_ =	sdelay $0x3  }
0x1e: {  	s13 =	simm.s32 $0x1;
	_ =	swait.ge [sflag:s4], $0x4000;
	s16 =	sshll.u32 s8, $0xE  }
0x1f: {  	s13 =	simm.s32 @!p0 $0x0;
	[sflag:s4] =	ssyncset.done $0x0;
	s31 =	sand.u32 $0x4000, s16  }
0x20: {  	s16 =	simm.s32 $0x0;
	s14 =	sshll.u32 s13, $0xE;
	[sflag:s4] =	ssyncadd.s32 $0xFFFFC000  }
0x21: {  	s13 =	sor.u32 $0x70, s14;
	s15 =	sor.u32 $0x8040, s14;
	s14 =	sor.u32 $0x8000, s31  }
.LBB1_3:
0x22: {  	v1 =	vmov s13;
	_ =	sdelay $0x3  }
0x23: {  	s17 =	simm.s32 $0x0  }
0x24: {  	v7 =	vld.idx.msk [tilespmem:v1+s17+$0x0 ss:$0x1], $0xffff  }
0x25: {  	v0 =	vmov s15;
	v8 =	vld.idx.msk [tilespmem:v1+s17+$0xFFFFFF90 ss:$0x1], $0xffff  }
0x26: {  	v6 =	vld.idx.msk [tilespmem:v1+s17+$0xFFFFFFA0 ss:$0x1], $0xffff  }
0x27: {  	v5 =	vld.idx.msk [tilespmem:v1+s17+$0xFFFFFFB0 ss:$0x1], $0xffff  }
0x28: {  	v4 =	vld.idx.msk [tilespmem:v1+s17+$0xFFFFFFC0 ss:$0x1], $0xffff  }
0x29: {  	v2 =	vld.idx.msk [tilespmem:v1+s17+$0xFFFFFFD0 ss:$0x1], $0xffff  }
0x2a: {  	v3 =	vld.idx.msk [tilespmem:v1+s17+$0xFFFFFFE0 ss:$0x1], $0xffff;
	[tilespmem:v0+s17+$0x30 ss:$0x1] =	vst.idx.msk $0xffff, v7  }
0x2b: {  	s18 =	simm.s32 $0x80;
	s19 =	simm.s32 $0x400;
	[tilespmem:v0+s17+$0xFFFFFFC0 ss:$0x1] =	vst.idx.msk $0xffff, v8;
	v7 =	vld.idx.msk [tilespmem:v1+s17+$0xFFFFFFF0 ss:$0x1], $0xffff  }
.LBB1_4:
0x2c: {  	p1 =	sne.s32 s19, $0x1E00;
	v8 =	vld.idx.msk [tilespmem:v1+s18+$0x0 ss:$0x1], $0xffff;
	[tilespmem:v0+s17+$0xFFFFFFD0 ss:$0x1] =	vst.idx.msk $0xffff, v6  }
0x2d: {  	v9 =	vld.idx.msk [tilespmem:v1+s18+$0xFFFFFF90 ss:$0x1], $0xffff;
	[tilespmem:v0+s17+$0xFFFFFFE0 ss:$0x1] =	vst.idx.msk $0xffff, v5  }
0x2e: {  	v6 =	vld.idx.msk [tilespmem:v1+s18+$0xFFFFFFA0 ss:$0x1], $0xffff;
	[tilespmem:v0+s17+$0xFFFFFFF0 ss:$0x1] =	vst.idx.msk $0xffff, v4  }
.Ltmp3:
0x2f: {  	v5 =	vld.idx.msk [tilespmem:v1+s18+$0xFFFFFFB0 ss:$0x1], $0xffff;
	[tilespmem:v0+s17+$0x0 ss:$0x1] =	vst.idx.msk $0xffff, v2;
	(pc) =	sbr.rel @p1 .LBB1_4-.Ltmp3, $4  }
0x30: {  	v4 =	vld.idx.msk [tilespmem:v1+s18+$0xFFFFFFC0 ss:$0x1], $0xffff;
	[tilespmem:v0+s17+$0x10 ss:$0x1] =	vst.idx.msk $0xffff, v3  }
0x31: {  	v2 =	vld.idx.msk [tilespmem:v1+s18+$0xFFFFFFD0 ss:$0x1], $0xffff;
	[tilespmem:v0+s17+$0x20 ss:$0x1] =	vst.idx.msk $0xffff, v7;
	s17 =	smov.u32 s18  }
0x32: {  	v3 =	vld.idx.msk [tilespmem:v1+s17+$0xFFFFFFE0 ss:$0x1], $0xffff;
	[tilespmem:v0+s17+$0x30 ss:$0x1] =	vst.idx.msk $0xffff, v8  }
0x33: {  	s18 =	sshra.s32 s19, $0x2;
	s19 =	sadd.s32 $0x200, s19;
	[tilespmem:v0+s17+$0xFFFFFFC0 ss:$0x1] =	vst.idx.msk $0xffff, v9;
	v7 =	vld.idx.msk [tilespmem:v1+s17+$0xFFFFFFF0 ss:$0x1], $0xffff  }
0x34: {  	_ =	sdelay $0x3  }
0x35: {  	[tilespmem:v0+s17+$0xFFFFFFD0 ss:$0x1] =	vst.idx.msk $0xffff, v6  }
0x36: {  	v56 =	vld.idx.msk [tilespmem:v1+s18+$0x0 ss:$0x1], $0xffff;
	[tilespmem:v0+s17+$0xFFFFFFE0 ss:$0x1] =	vst.idx.msk $0xffff, v5  }
0x37: {  	v57 =	vld.idx.msk [tilespmem:v1+s18+$0xFFFFFF90 ss:$0x1], $0xffff;
	[tilespmem:v0+s17+$0xFFFFFFF0 ss:$0x1] =	vst.idx.msk $0xffff, v4  }
0x38: {  	v58 =	vld.idx.msk [tilespmem:v1+s18+$0xFFFFFFA0 ss:$0x1], $0xffff;
	[tilespmem:v0+s17+$0x0 ss:$0x1] =	vst.idx.msk $0xffff, v2  }
0x39: {  	v59 =	vld.idx.msk [tilespmem:v1+s18+$0xFFFFFFB0 ss:$0x1], $0xffff;
	[tilespmem:v0+s17+$0x10 ss:$0x1] =	vst.idx.msk $0xffff, v3  }
0x3a: {  	v60 =	vld.idx.msk [tilespmem:v1+s18+$0xFFFFFFC0 ss:$0x1], $0xffff;
	[tilespmem:v0+s17+$0x20 ss:$0x1] =	vst.idx.msk $0xffff, v7  }
0x3b: {  	v61 =	vld.idx.msk [tilespmem:v1+s18+$0xFFFFFFD0 ss:$0x1], $0xffff;
	[tilespmem:v0+s18+$0x30 ss:$0x1] =	vst.idx.msk $0xffff, v56  }
0x3c: {  	v62 =	vld.idx.msk [tilespmem:v1+s18+$0xFFFFFFE0 ss:$0x1], $0xffff;
	s16 =	sadd.s32 $0x1, s16;
	[tilespmem:v0+s18+$0xFFFFFFC0 ss:$0x1] =	vst.idx.msk $0xffff, v57  }
0x3d: {  	v63 =	vld.idx.msk [tilespmem:v1+s18+$0xFFFFFFF0 ss:$0x1], $0xffff;
	p1 =	sne.s32 s16, $0x8;
	[tilespmem:v0+s18+$0xFFFFFFD0 ss:$0x1] =	vst.idx.msk $0xffff, v58  }
.Ltmp4:
0x3e: {  	[tilespmem:v0+s18+$0xFFFFFFE0 ss:$0x1] =	vst.idx.msk $0xffff, v59;
	(pc) =	sbr.rel @p1 .LBB1_3-.Ltmp4, $4  }
0x3f: {  	[tilespmem:v0+s18+$0xFFFFFFF0 ss:$0x1] =	vst.idx.msk $0xffff, v60  }
0x40: {  	[tilespmem:v0+s18+$0x0 ss:$0x1] =	vst.idx.msk $0xffff, v61  }
0x41: {  	[tilespmem:v0+s18+$0x10 ss:$0x1] =	vst.idx.msk $0xffff, v62  }
0x42: {  	s13 =	sadd.s32 $0x800, s13;
	s15 =	sadd.s32 $0x800, s15;
	[tilespmem:v0+s18+$0x20 ss:$0x1] =	vst.idx.msk $0xffff, v63  }
.Ltmp5:
0x43: {  	s12 =	sshll.u32 s12, $0x4;
	(pc) =	sbr.rel .LBB1_7-.Ltmp5, $4  }
0x44: {  	s12 =	sand.u32 $0x7F0, s12  }
0x45: {  	s11 =	sshll.u32 s11, $0xF;
	s12 =	sadd.s32 s3, s12  }
0x46: {  	s11 =	sadd.s32 s11, s12  }
0x47: {  	[hbm4b:s11+s6] =	stream.strided.scatter [tilespmem:s14], [sflag:$0x2], $0x4000, s7, s6, $0x38;
	[tilespmem:$0x10000] =	vst v63  }
.LBB1_8:
0x48: {  	_ =	sfence.sel $0x180000  }
0x49: {  	s2 =	simm.s32 $0x1;
	[bflag:$0x0] =	sbarrier.arrive $0xFFFF  }
0x4a: {  	s31 =	simm.s32 $0x2;
	[sflag:s2] =	ssyncpa.u1 $0x1  }
0x4b: {  	[sflag:s31] =	ssyncpa.u1 $0x1  }
0x4c: {  	p0 =	sne.s32 s1, $0x0;
	_ =	strace $0x90000047  }
0x4d: {  	s0 =	sadd.s32 @!p0 $0x100000, s0;
	[bflag:$0x2] =	sbarrier.arrive $0xFFFF  }
0x4e: {  	[sflag:s0] =	ssyncadd.tile.s32 @!p0 $0x1;
	_ =	shalt  }
.Lfunc_end1:
_tile_overlayer_lowered:
.L_overlay_start_2:
0x4f: {  	(tag) =	ssettag $0x2  }
0x50: {  	s0 =	rddreg [dreg:$0x0];
	s2 =	stileid.u32  }
0x51: {  	s1 =	rddreg [dreg:$0x1];
	p0 =	sne.s32 s2, $0x0  }
0x52: {  	s3 =	rddreg [dreg:$0x2];
	[bflag:$0x3] =	sbarrier.arrive $0xFFFF;
	s2 =	simm.s32 @!p0 $0x1C01  }
0x53: {  	[timem:s3], [sflag:s2] =	dma.local @!p0 [hbm:s0], s1  }
0x54: {  	s0 =	simm.s32 @!p0 $0x1  }
0x55: {  	_ =	swait.ge @!p0 [sflag:s0], s1  }
0x56: {  	s1 =	ssub.s32 @!p0 $0x0, s1;
	[sflag:s0] =	ssyncset.done @!p0 $0x0  }
0x57: {  	[sflag:s0] =	ssyncadd.s32 @!p0 s1  }
0x58: {  	[bflag:$0x3] =	sbarrier.arrive $0xFFFF  }
0x59: {  	_ =	shalt  }

</sc_bundles>
